<compile_context>
chip_gen: v7x
topology: tpu7x:2x2x1
jax: 0.10.2.dev20260603
libtpu: 0.0.44.dev20260713+nightly
codegen_flags: <defaults>
</compile_context>

<pallas_src>
import jax
import jax.numpy as jnp
from jax import lax
from jax.experimental import pallas as pl
from jax.experimental.pallas import tpu as pltpu
from jax.experimental.pallas import tpu_sc as plsc

K = 7
B = 4096
C = 1000
BB = 256

NC = 2
NS = 16
SC_ROWS = 512
TC_ROWS = B - SC_ROWS
CORE_ROWS = SC_ROWS // NC


def _majority_kernel(x_ref, out_ref):
    x = x_ref[...]
    am = jnp.argmax(x, axis=1).astype(jnp.int32)
    rows = [am[i] for i in range(K)]
    keys = []
    for j in range(K):
        cnt = (rows[0] == rows[j]).astype(jnp.int32)
        for i in range(1, K):
            cnt = cnt + (rows[i] == rows[j]).astype(jnp.int32)
        keys.append(cnt * 1024 - rows[j])
    best = keys[0]
    for j in range(1, K):
        best = jnp.maximum(best, keys[j])
    idx = jnp.where(keys[0] == best, 0, -1)
    for j in range(1, K):
        idx = jnp.maximum(idx, jnp.where(keys[j] == best, j, -1))
    out_ref[...] = idx.astype(jnp.int32)


def _sc_vote(rows):
    ones = jnp.full((16,), 1, jnp.int32)
    zeros = jnp.full((16,), 0, jnp.int32)
    neg1 = jnp.full((16,), -1, jnp.int32)
    k1024 = jnp.full((16,), 1024, jnp.int32)
    keys = []
    for j in range(K):
        cnt = jnp.where(rows[0] == rows[j], ones, zeros)
        for i in range(1, K):
            cnt = cnt + jnp.where(rows[i] == rows[j], ones, zeros)
        keys.append(cnt * k1024 - rows[j])
    best = keys[0]
    for j in range(1, K):
        best = jnp.maximum(best, keys[j])
    idx = jnp.where(keys[0] == best, zeros, neg1)
    for j in range(1, K):
        jvec = jnp.full((16,), j, jnp.int32)
        idx = jnp.maximum(idx, jnp.where(keys[j] == best, jvec, neg1))
    return idx


def _sc_majority_kernel(st_hbm, out_hbm, votes_sp, slab, votes_l, am_l,
                        out_l, sem):
    cid = lax.axis_index("c")
    sid = lax.axis_index("s")
    k = sid % K
    half = sid // K
    base = TC_ROWS + cid * CORE_ROWS + half * 128

    @pl.when(sid < 2 * K)
    def _argmax_stage():
        pltpu.async_copy(
            st_hbm.at[k, :, pl.ds(base, 128)], slab, sem
        ).wait()
        minf = jnp.full((16,), -jnp.inf, jnp.float32)
        zeros = jnp.full((16,), 0, jnp.int32)
        for g in range(8):
            def body(i, carry):
                m, am = carry
                for u in range(4):
                    cc = i * 4 + u
                    v = slab[cc, pl.ds(g * 16, 16)]
                    upd = v > m
                    cvec = jnp.full((16,), cc, jnp.int32)
                    am = jnp.where(upd, cvec, am)
                    m = jnp.where(upd, v, m)
                return m, am
            _, am_g = lax.fori_loop(0, C // 4, body, (minf, zeros))
            am_l[pl.ds(g * 16, 16)] = am_g
        pltpu.sync_copy(am_l, votes_sp.at[k, pl.ds(half * 128, 128)])

    plsc.subcore_barrier()

    pltpu.sync_copy(votes_sp, votes_l)
    rows = [votes_l[j, pl.ds(sid * 16, 16)] for j in range(K)]
    out_l[...] = _sc_vote(rows)
    pltpu.sync_copy(
        out_l, out_hbm.at[pl.ds(cid * CORE_ROWS + sid * 16, 16)]
    )


def kernel(scores):
    st = jnp.transpose(scores, (0, 2, 1))
    tc_idx = pl.pallas_call(
        _majority_kernel,
        grid=(TC_ROWS // BB,),
        in_specs=[pl.BlockSpec((K, C, BB), lambda i: (0, 0, i))],
        out_specs=pl.BlockSpec((BB,), lambda i: (i,)),
        out_shape=jax.ShapeDtypeStruct((TC_ROWS,), jnp.int32),
    )(st)
    sc_call = pl.kernel(
        _sc_majority_kernel,
        out_type=jax.ShapeDtypeStruct((SC_ROWS,), jnp.int32),
        mesh=plsc.VectorSubcoreMesh(core_axis_name="c", subcore_axis_name="s"),
        scratch_types=[
            pltpu.VMEM_SHARED((K, CORE_ROWS), jnp.int32),
            pltpu.VMEM((C, 128), jnp.float32),
            pltpu.VMEM((K, CORE_ROWS), jnp.int32),
            pltpu.VMEM((128,), jnp.int32),
            pltpu.VMEM((16,), jnp.int32),
            pltpu.SemaphoreType.DMA,
        ],
    )
    sc_idx = sc_call(st)
    return jnp.concatenate([tc_idx, sc_idx])

# --- scband reference (transcript-rebuilt; emitter-appended) ---
"""Pipeline reference for scband-majority-decision-89086211654266 (READ-ONLY COPY).

The authoritative reference and input builder live on the scoring server;
editing this copy changes nothing except your own understanding.
"""

import jax, jax.numpy as jnp
import numpy as np


def setup_inputs(seed: int = 0) -> dict:
    key = jax.random.key(seed)
    # ensemble of 7 classifiers, batch 4096, 1000 classes
    scores = jax.random.normal(key, (7, 4096, 1000), dtype=jnp.float32)
    return {"scores": scores}


def reference(scores):
    # torch.stack(list_of_[B,C], -1) with scores given as a single [K,B,C] tensor
    # (iterating a tensor yields slices along dim 0) -> [B, C, K]
    stacked = jnp.moveaxis(scores, 0, -1)
    # argmax over the class dim (-2) -> [B, K] predicted class per ensemble member
    am = jnp.argmax(stacked, axis=-2)
    B, K = am.shape
    C = stacked.shape[-2]
    # mode over the last dim (K): count votes per class, pick the most frequent
    counts = jax.nn.one_hot(am, C, dtype=jnp.int32).sum(axis=-2)  # [B, C]
    mode_val = jnp.argmax(counts, axis=-1)  # [B] (smallest modal value on ties)
    # torch.mode returns indices = a position of the modal value along dim K;
    # take the last occurrence
    matches = am == mode_val[:, None]
    pos = jnp.arange(K)
    idx = jnp.max(jnp.where(matches, pos, -1), axis=-1)
    return idx

if __name__ == "__main__":
    import jax
    _d = setup_inputs()
    print(jax.jit(kernel)(*tuple(_d.values())))

</pallas_src>

<mosaic_0001>
#map = affine_map<(d0, d1) -> (0, 0, 0)>
#map1 = affine_map<(d0, d1) -> (0)>
module attributes {stable_mosaic.version = 14 : i64} {
  func.func @_sc_majority_kernel(%arg0: i32, %arg1: i32, %arg2: memref<7x1000x4096xf32, #tpu.memory_space<hbm>>, %arg3: memref<512xi32, #tpu.memory_space<hbm>>, %arg4: memref<7x256xi32, #tpu.memory_space<vmem_shared>>, %arg5: memref<1000x128xf32, #tpu.memory_space<vmem>>, %arg6: memref<7x256xi32, #tpu.memory_space<vmem>>, %arg7: memref<128xi32, #tpu.memory_space<vmem>>, %arg8: memref<16xi32, #tpu.memory_space<vmem>>, %arg9: memref<!tpu.dma_semaphore, #tpu.memory_space<semaphore_mem>>) attributes {dimension_semantics = [#tpu.dimension_semantics<core_parallel>, #tpu.dimension_semantics<subcore_parallel>], iteration_bounds = array<i64: 2, 16>, scalar_prefetch = 0 : i64, scratch_operands = 6 : i64, tpu.core_type = #tpu.core_type<sc_vector_subcore>, window_params = [{transform_indices = #map}, {transform_indices = #map1}]} {
    %jit3A = arith.constant 7 : i32
    %eq3A = arith.constant 0 : i32
    %eq3A_0 = arith.cmpi eq, %jit3A, %eq3A : i32
    %jit3A_1 = arith.constant 1 : i32
    %select_n3A = arith.select %eq3A_0, %jit3A_1, %jit3A : i32
    %rem3A = arith.remsi %arg1, %select_n3A : i32
    %ne3A = arith.constant 0 : i32
    %ne3A_2 = arith.cmpi ne, %rem3A, %ne3A : i32
    %lt3A = arith.constant 0 : i32
    %lt3A_3 = arith.cmpi slt, %rem3A, %lt3A : i32
    %lt3A_4 = arith.constant 0 : i32
    %lt3A_5 = arith.cmpi slt, %select_n3A, %lt3A_4 : i32
    %ne3A_6 = arith.xori %lt3A_3, %lt3A_5 : i1
    %and3A = arith.andi %ne3A_6, %ne3A_2 : i1
    %add3A = arith.addi %rem3A, %select_n3A : i32
    %select_n3A_7 = arith.select %and3A, %add3A, %rem3A : i32
    %jit3A_8 = arith.constant 7 : i32
    %div3A = arith.divsi %arg1, %jit3A_8 : i32
    %sign3A = arith.constant 0 : i32
    %sign3A_9 = arith.cmpi sgt, %arg1, %sign3A : i32
    %sign3A_10 = arith.extui %sign3A_9 : i1 to i32
    %sign3A_11 = arith.constant 0 : i32
    %sign3A_12 = arith.cmpi slt, %arg1, %sign3A_11 : i32
    %sign3A_13 = arith.extui %sign3A_12 : i1 to i32
    %sign3A_14 = arith.subi %sign3A_10, %sign3A_13 : i32
    %sign3A_15 = arith.constant 0 : i32
    %sign3A_16 = arith.cmpi sgt, %jit3A_8, %sign3A_15 : i32
    %sign3A_17 = arith.extui %sign3A_16 : i1 to i32
    %sign3A_18 = arith.constant 0 : i32
    %sign3A_19 = arith.cmpi slt, %jit3A_8, %sign3A_18 : i32
    %sign3A_20 = arith.extui %sign3A_19 : i1 to i32
    %sign3A_21 = arith.subi %sign3A_17, %sign3A_20 : i32
    %ne3A_22 = arith.cmpi ne, %sign3A_14, %sign3A_21 : i32
    %rem3A_23 = arith.remsi %arg1, %jit3A_8 : i32
    %ne3A_24 = arith.constant 0 : i32
    %ne3A_25 = arith.cmpi ne, %rem3A_23, %ne3A_24 : i32
    %and3A_26 = arith.andi %ne3A_22, %ne3A_25 : i1
    %sub3A = arith.constant 1 : i32
    %sub3A_27 = arith.subi %div3A, %sub3A : i32
    %select_n3A_28 = arith.select %and3A_26, %sub3A_27, %div3A : i32
    %mul3A = arith.constant 256 : i32
    %mul3A_29 = arith.muli %arg0, %mul3A : i32
    %add3A_30 = arith.constant 3584 : i32
    %add3A_31 = arith.addi %add3A_30, %mul3A_29 : i32
    %mul3A_32 = arith.constant 128 : i32
    %mul3A_33 = arith.muli %select_n3A_28, %mul3A_32 : i32
    %add3A_34 = arith.addi %add3A_31, %mul3A_33 : i32
    %lt3A_35 = arith.constant 14 : i32
    %lt3A_36 = arith.cmpi slt, %arg1, %lt3A_35 : i32
    %convert_element_type3A = arith.extui %lt3A_36 : i1 to i32
    %cond3A = arith.constant 0 : i32
    %cond3A_37 = arith.cmpi ne, %convert_element_type3A, %cond3A : i32
    scf.if %cond3A_37 {
      %dma_start3A = arith.constant 0 : i32
      %dma_start3A_292 = tpu.memref_slice %arg2[%select_n3A_7, %dma_start3A, %add3A_34] : memref<7x1000x4096xf32, #tpu.memory_space<hbm>> -> memref<1x1000x128xf32, #tpu.memory_space<hbm>>
      %dma_start3A_293 = tpu.memref_squeeze %dma_start3A_292 : memref<1x1000x128xf32, #tpu.memory_space<hbm>> -> memref<1000x128xf32, #tpu.memory_space<hbm>>
      %dma_start3A_294 = arith.constant 0 : i32
      %dma_start3A_295 = tpu.memref_slice %arg2[%select_n3A_7, %dma_start3A_294, %add3A_34] : memref<7x1000x4096xf32, #tpu.memory_space<hbm>> -> memref<1x1000x128xf32, #tpu.memory_space<hbm>>
      %dma_start3A_296 = tpu.memref_squeeze %dma_start3A_295 : memref<1x1000x128xf32, #tpu.memory_space<hbm>> -> memref<1000x128xf32, #tpu.memory_space<hbm>>
      tpu.enqueue_dma source(%dma_start3A_296 : memref<1000x128xf32, #tpu.memory_space<hbm>>) target(%arg5 : memref<1000x128xf32, #tpu.memory_space<vmem>>) target_semaphore(%arg9 : memref<!tpu.dma_semaphore, #tpu.memory_space<semaphore_mem>>)
      %dma_wait3A = arith.constant 0 : i32
      %dma_wait3A_297 = tpu.memref_slice %arg2[%select_n3A_7, %dma_wait3A, %add3A_34] : memref<7x1000x4096xf32, #tpu.memory_space<hbm>> -> memref<1x1000x128xf32, #tpu.memory_space<hbm>>
      %dma_wait3A_298 = tpu.memref_squeeze %dma_wait3A_297 : memref<1x1000x128xf32, #tpu.memory_space<hbm>> -> memref<1000x128xf32, #tpu.memory_space<hbm>>
      %dma_wait3A_299 = arith.constant 0 : i32
      %dma_wait3A_300 = tpu.memref_slice %arg2[%select_n3A_7, %dma_wait3A_299, %add3A_34] : memref<7x1000x4096xf32, #tpu.memory_space<hbm>> -> memref<1x1000x128xf32, #tpu.memory_space<hbm>>
      %dma_wait3A_301 = tpu.memref_squeeze %dma_wait3A_300 : memref<1x1000x128xf32, #tpu.memory_space<hbm>> -> memref<1000x128xf32, #tpu.memory_space<hbm>>
      tpu.wait_dma2 semaphore(%arg9 : memref<!tpu.dma_semaphore, #tpu.memory_space<semaphore_mem>>) src(%dma_wait3A_301 : memref<1000x128xf32, #tpu.memory_space<hbm>>) dst(%arg5 : memref<1000x128xf32, #tpu.memory_space<vmem>>)
      %broadcast_in_dim3A_302 = arith.constant 0xFF800000 : f32
      %broadcast_in_dim3A_303 = vector.broadcast %broadcast_in_dim3A_302 : f32 to vector<16xf32>
      %broadcast_in_dim3A_304 = arith.constant 0 : i32
      %broadcast_in_dim3A_305 = vector.broadcast %broadcast_in_dim3A_304 : i32 to vector<16xi32>
      %scan3A = arith.constant 0 : i32
      %scan3A_306 = arith.constant 250 : i32
      %scan3A_307 = arith.addi %scan3A, %scan3A_306 : i32
      %scan3A_308 = arith.constant 1 : i32
      %scan3A_309:2 = scf.for %scan3A_387 = %scan3A to %scan3A_307 step %scan3A_308 iter_args(%scan3A_388 = %broadcast_in_dim3A_303, %scan3A_389 = %broadcast_in_dim3A_305) -> (vector<16xf32>, vector<16xi32>)  : i32 {
        %mul3A_390 = arith.constant 4 : i32
        %mul3A_391 = arith.muli %scan3A_387, %mul3A_390 : i32
        %add3A_392 = arith.constant 0 : i32
        %add3A_393 = arith.addi %mul3A_391, %add3A_392 : i32
        %get3A_394 = arith.index_cast %add3A_393 : i32 to index
        %get3A_395 = arith.constant 0 : index
        %get3A_396 = tpu.vector_load %arg5[%get3A_394, %get3A_395] {strides = array<i32>} : memref<1000x128xf32, #tpu.memory_space<vmem>>, vector<1x16xf32>,
        %get3A_397 = vector.shape_cast %get3A_396 : vector<1x16xf32> to vector<16xf32>
        %gt3A = arith.cmpf ogt, %get3A_397, %scan3A_388 : vector<16xf32>
        %broadcast_in_dim3A_398 = vector.broadcast %add3A_393 : i32 to vector<16xi32>
        %select_n3A_399 = arith.select %gt3A, %broadcast_in_dim3A_398, %scan3A_389 : vector<16xi1>, vector<16xi32>
        %select_n3A_400 = arith.select %gt3A, %get3A_397, %scan3A_388 : vector<16xi1>, vector<16xf32>
        %mul3A_401 = arith.constant 4 : i32
        %mul3A_402 = arith.muli %scan3A_387, %mul3A_401 : i32
        %add3A_403 = arith.constant 1 : i32
        %add3A_404 = arith.addi %mul3A_402, %add3A_403 : i32
        %get3A_405 = arith.index_cast %add3A_404 : i32 to index
        %get3A_406 = arith.constant 0 : index
        %get3A_407 = tpu.vector_load %arg5[%get3A_405, %get3A_406] {strides = array<i32>} : memref<1000x128xf32, #tpu.memory_space<vmem>>, vector<1x16xf32>,
        %get3A_408 = vector.shape_cast %get3A_407 : vector<1x16xf32> to vector<16xf32>
        %gt3A_409 = arith.cmpf ogt, %get3A_408, %select_n3A_400 : vector<16xf32>
        %broadcast_in_dim3A_410 = vector.broadcast %add3A_404 : i32 to vector<16xi32>
        %select_n3A_411 = arith.select %gt3A_409, %broadcast_in_dim3A_410, %select_n3A_399 : vector<16xi1>, vector<16xi32>
        %select_n3A_412 = arith.select %gt3A_409, %get3A_408, %select_n3A_400 : vector<16xi1>, vector<16xf32>
        %mul3A_413 = arith.constant 4 : i32
        %mul3A_414 = arith.muli %scan3A_387, %mul3A_413 : i32
        %add3A_415 = arith.constant 2 : i32
        %add3A_416 = arith.addi %mul3A_414, %add3A_415 : i32
        %get3A_417 = arith.index_cast %add3A_416 : i32 to index
        %get3A_418 = arith.constant 0 : index
        %get3A_419 = tpu.vector_load %arg5[%get3A_417, %get3A_418] {strides = array<i32>} : memref<1000x128xf32, #tpu.memory_space<vmem>>, vector<1x16xf32>,
        %get3A_420 = vector.shape_cast %get3A_419 : vector<1x16xf32> to vector<16xf32>
        %gt3A_421 = arith.cmpf ogt, %get3A_420, %select_n3A_412 : vector<16xf32>
        %broadcast_in_dim3A_422 = vector.broadcast %add3A_416 : i32 to vector<16xi32>
        %select_n3A_423 = arith.select %gt3A_421, %broadcast_in_dim3A_422, %select_n3A_411 : vector<16xi1>, vector<16xi32>
        %select_n3A_424 = arith.select %gt3A_421, %get3A_420, %select_n3A_412 : vector<16xi1>, vector<16xf32>
        %mul3A_425 = arith.constant 4 : i32
        %mul3A_426 = arith.muli %scan3A_387, %mul3A_425 : i32
        %add3A_427 = arith.constant 3 : i32
        %add3A_428 = arith.addi %mul3A_426, %add3A_427 : i32
        %get3A_429 = arith.index_cast %add3A_428 : i32 to index
        %get3A_430 = arith.constant 0 : index
        %get3A_431 = tpu.vector_load %arg5[%get3A_429, %get3A_430] {strides = array<i32>} : memref<1000x128xf32, #tpu.memory_space<vmem>>, vector<1x16xf32>,
        %get3A_432 = vector.shape_cast %get3A_431 : vector<1x16xf32> to vector<16xf32>
        %gt3A_433 = arith.cmpf ogt, %get3A_432, %select_n3A_424 : vector<16xf32>
        %broadcast_in_dim3A_434 = vector.broadcast %add3A_428 : i32 to vector<16xi32>
        %select_n3A_435 = arith.select %gt3A_433, %broadcast_in_dim3A_434, %select_n3A_423 : vector<16xi1>, vector<16xi32>
        %select_n3A_436 = arith.select %gt3A_433, %get3A_432, %select_n3A_424 : vector<16xi1>, vector<16xf32>
        scf.yield %select_n3A_436, %select_n3A_435 : vector<16xf32>, vector<16xi32>
      }
      %scan3A_310 = arith.constant 250 : i32
      %swap3A_311 = arith.constant 0 : index
      %swap3A_312 = tpu.vector_load %arg7[%swap3A_311] {strides = array<i32>} : memref<128xi32, #tpu.memory_space<vmem>>, vector<16xi32>,
      %swap3A_313 = vector.shape_cast %swap3A_312 : vector<16xi32> to vector<16xi32>
      %swap3A_314 = vector.shape_cast %scan3A_309#1 : vector<16xi32> to vector<16xi32>
      tpu.vector_store %arg7[%swap3A_311], %swap3A_314 {strides = array<i32>} : memref<128xi32, #tpu.memory_space<vmem>>, vector<16xi32>,
      %scan3A_315 = arith.constant 0 : i32
      %scan3A_316 = arith.constant 250 : i32
      %scan3A_317 = arith.addi %scan3A_315, %scan3A_316 : i32
      %scan3A_318 = arith.constant 1 : i32
      %scan3A_319:2 = scf.for %scan3A_387 = %scan3A_315 to %scan3A_317 step %scan3A_318 iter_args(%scan3A_388 = %broadcast_in_dim3A_303, %scan3A_389 = %broadcast_in_dim3A_305) -> (vector<16xf32>, vector<16xi32>)  : i32 {
        %mul3A_390 = arith.constant 4 : i32
        %mul3A_391 = arith.muli %scan3A_387, %mul3A_390 : i32
        %add3A_392 = arith.constant 0 : i32
        %add3A_393 = arith.addi %mul3A_391, %add3A_392 : i32
        %get3A_394 = arith.index_cast %add3A_393 : i32 to index
        %get3A_395 = arith.constant 16 : index
        %get3A_396 = tpu.vector_load %arg5[%get3A_394, %get3A_395] {strides = array<i32>} : memref<1000x128xf32, #tpu.memory_space<vmem>>, vector<1x16xf32>,
        %get3A_397 = vector.shape_cast %get3A_396 : vector<1x16xf32> to vector<16xf32>
        %gt3A = arith.cmpf ogt, %get3A_397, %scan3A_388 : vector<16xf32>
        %broadcast_in_dim3A_398 = vector.broadcast %add3A_393 : i32 to vector<16xi32>
        %select_n3A_399 = arith.select %gt3A, %broadcast_in_dim3A_398, %scan3A_389 : vector<16xi1>, vector<16xi32>
        %select_n3A_400 = arith.select %gt3A, %get3A_397, %scan3A_388 : vector<16xi1>, vector<16xf32>
        %mul3A_401 = arith.constant 4 : i32
        %mul3A_402 = arith.muli %scan3A_387, %mul3A_401 : i32
        %add3A_403 = arith.constant 1 : i32
        %add3A_404 = arith.addi %mul3A_402, %add3A_403 : i32
        %get3A_405 = arith.index_cast %add3A_404 : i32 to index
        %get3A_406 = arith.constant 16 : index
        %get3A_407 = tpu.vector_load %arg5[%get3A_405, %get3A_406] {strides = array<i32>} : memref<1000x128xf32, #tpu.memory_space<vmem>>, vector<1x16xf32>,
        %get3A_408 = vector.shape_cast %get3A_407 : vector<1x16xf32> to vector<16xf32>
        %gt3A_409 = arith.cmpf ogt, %get3A_408, %select_n3A_400 : vector<16xf32>
        %broadcast_in_dim3A_410 = vector.broadcast %add3A_404 : i32 to vector<16xi32>
        %select_n3A_411 = arith.select %gt3A_409, %broadcast_in_dim3A_410, %select_n3A_399 : vector<16xi1>, vector<16xi32>
        %select_n3A_412 = arith.select %gt3A_409, %get3A_408, %select_n3A_400 : vector<16xi1>, vector<16xf32>
        %mul3A_413 = arith.constant 4 : i32
        %mul3A_414 = arith.muli %scan3A_387, %mul3A_413 : i32
        %add3A_415 = arith.constant 2 : i32
        %add3A_416 = arith.addi %mul3A_414, %add3A_415 : i32
        %get3A_417 = arith.index_cast %add3A_416 : i32 to index
        %get3A_418 = arith.constant 16 : index
        %get3A_419 = tpu.vector_load %arg5[%get3A_417, %get3A_418] {strides = array<i32>} : memref<1000x128xf32, #tpu.memory_space<vmem>>, vector<1x16xf32>,
        %get3A_420 = vector.shape_cast %get3A_419 : vector<1x16xf32> to vector<16xf32>
        %gt3A_421 = arith.cmpf ogt, %get3A_420, %select_n3A_412 : vector<16xf32>
        %broadcast_in_dim3A_422 = vector.broadcast %add3A_416 : i32 to vector<16xi32>
        %select_n3A_423 = arith.select %gt3A_421, %broadcast_in_dim3A_422, %select_n3A_411 : vector<16xi1>, vector<16xi32>
        %select_n3A_424 = arith.select %gt3A_421, %get3A_420, %select_n3A_412 : vector<16xi1>, vector<16xf32>
        %mul3A_425 = arith.constant 4 : i32
        %mul3A_426 = arith.muli %scan3A_387, %mul3A_425 : i32
        %add3A_427 = arith.constant 3 : i32
        %add3A_428 = arith.addi %mul3A_426, %add3A_427 : i32
        %get3A_429 = arith.index_cast %add3A_428 : i32 to index
        %get3A_430 = arith.constant 16 : index
        %get3A_431 = tpu.vector_load %arg5[%get3A_429, %get3A_430] {strides = array<i32>} : memref<1000x128xf32, #tpu.memory_space<vmem>>, vector<1x16xf32>,
        %get3A_432 = vector.shape_cast %get3A_431 : vector<1x16xf32> to vector<16xf32>
        %gt3A_433 = arith.cmpf ogt, %get3A_432, %select_n3A_424 : vector<16xf32>
        %broadcast_in_dim3A_434 = vector.broadcast %add3A_428 : i32 to vector<16xi32>
        %select_n3A_435 = arith.select %gt3A_433, %broadcast_in_dim3A_434, %select_n3A_423 : vector<16xi1>, vector<16xi32>
        %select_n3A_436 = arith.select %gt3A_433, %get3A_432, %select_n3A_424 : vector<16xi1>, vector<16xf32>
        scf.yield %select_n3A_436, %select_n3A_435 : vector<16xf32>, vector<16xi32>
      }
      %scan3A_320 = arith.constant 250 : i32
      %swap3A_321 = arith.constant 16 : index
      %swap3A_322 = tpu.vector_load %arg7[%swap3A_321] {strides = array<i32>} : memref<128xi32, #tpu.memory_space<vmem>>, vector<16xi32>,
      %swap3A_323 = vector.shape_cast %swap3A_322 : vector<16xi32> to vector<16xi32>
      %swap3A_324 = vector.shape_cast %scan3A_319#1 : vector<16xi32> to vector<16xi32>
      tpu.vector_store %arg7[%swap3A_321], %swap3A_324 {strides = array<i32>} : memref<128xi32, #tpu.memory_space<vmem>>, vector<16xi32>,
      %scan3A_325 = arith.constant 0 : i32
      %scan3A_326 = arith.constant 250 : i32
      %scan3A_327 = arith.addi %scan3A_325, %scan3A_326 : i32
      %scan3A_328 = arith.constant 1 : i32
      %scan3A_329:2 = scf.for %scan3A_387 = %scan3A_325 to %scan3A_327 step %scan3A_328 iter_args(%scan3A_388 = %broadcast_in_dim3A_303, %scan3A_389 = %broadcast_in_dim3A_305) -> (vector<16xf32>, vector<16xi32>)  : i32 {
        %mul3A_390 = arith.constant 4 : i32
        %mul3A_391 = arith.muli %scan3A_387, %mul3A_390 : i32
        %add3A_392 = arith.constant 0 : i32
        %add3A_393 = arith.addi %mul3A_391, %add3A_392 : i32
        %get3A_394 = arith.index_cast %add3A_393 : i32 to index
        %get3A_395 = arith.constant 32 : index
        %get3A_396 = tpu.vector_load %arg5[%get3A_394, %get3A_395] {strides = array<i32>} : memref<1000x128xf32, #tpu.memory_space<vmem>>, vector<1x16xf32>,
        %get3A_397 = vector.shape_cast %get3A_396 : vector<1x16xf32> to vector<16xf32>
        %gt3A = arith.cmpf ogt, %get3A_397, %scan3A_388 : vector<16xf32>
        %broadcast_in_dim3A_398 = vector.broadcast %add3A_393 : i32 to vector<16xi32>
        %select_n3A_399 = arith.select %gt3A, %broadcast_in_dim3A_398, %scan3A_389 : vector<16xi1>, vector<16xi32>
        %select_n3A_400 = arith.select %gt3A, %get3A_397, %scan3A_388 : vector<16xi1>, vector<16xf32>
        %mul3A_401 = arith.constant 4 : i32
        %mul3A_402 = arith.muli %scan3A_387, %mul3A_401 : i32
        %add3A_403 = arith.constant 1 : i32
        %add3A_404 = arith.addi %mul3A_402, %add3A_403 : i32
        %get3A_405 = arith.index_cast %add3A_404 : i32 to index
        %get3A_406 = arith.constant 32 : index
        %get3A_407 = tpu.vector_load %arg5[%get3A_405, %get3A_406] {strides = array<i32>} : memref<1000x128xf32, #tpu.memory_space<vmem>>, vector<1x16xf32>,
        %get3A_408 = vector.shape_cast %get3A_407 : vector<1x16xf32> to vector<16xf32>
        %gt3A_409 = arith.cmpf ogt, %get3A_408, %select_n3A_400 : vector<16xf32>
        %broadcast_in_dim3A_410 = vector.broadcast %add3A_404 : i32 to vector<16xi32>
        %select_n3A_411 = arith.select %gt3A_409, %broadcast_in_dim3A_410, %select_n3A_399 : vector<16xi1>, vector<16xi32>
        %select_n3A_412 = arith.select %gt3A_409, %get3A_408, %select_n3A_400 : vector<16xi1>, vector<16xf32>
        %mul3A_413 = arith.constant 4 : i32
        %mul3A_414 = arith.muli %scan3A_387, %mul3A_413 : i32
        %add3A_415 = arith.constant 2 : i32
        %add3A_416 = arith.addi %mul3A_414, %add3A_415 : i32
        %get3A_417 = arith.index_cast %add3A_416 : i32 to index
        %get3A_418 = arith.constant 32 : index
        %get3A_419 = tpu.vector_load %arg5[%get3A_417, %get3A_418] {strides = array<i32>} : memref<1000x128xf32, #tpu.memory_space<vmem>>, vector<1x16xf32>,
        %get3A_420 = vector.shape_cast %get3A_419 : vector<1x16xf32> to vector<16xf32>
        %gt3A_421 = arith.cmpf ogt, %get3A_420, %select_n3A_412 : vector<16xf32>
        %broadcast_in_dim3A_422 = vector.broadcast %add3A_416 : i32 to vector<16xi32>
        %select_n3A_423 = arith.select %gt3A_421, %broadcast_in_dim3A_422, %select_n3A_411 : vector<16xi1>, vector<16xi32>
        %select_n3A_424 = arith.select %gt3A_421, %get3A_420, %select_n3A_412 : vector<16xi1>, vector<16xf32>
        %mul3A_425 = arith.constant 4 : i32
        %mul3A_426 = arith.muli %scan3A_387, %mul3A_425 : i32
        %add3A_427 = arith.constant 3 : i32
        %add3A_428 = arith.addi %mul3A_426, %add3A_427 : i32
        %get3A_429 = arith.index_cast %add3A_428 : i32 to index
        %get3A_430 = arith.constant 32 : index
        %get3A_431 = tpu.vector_load %arg5[%get3A_429, %get3A_430] {strides = array<i32>} : memref<1000x128xf32, #tpu.memory_space<vmem>>, vector<1x16xf32>,
        %get3A_432 = vector.shape_cast %get3A_431 : vector<1x16xf32> to vector<16xf32>
        %gt3A_433 = arith.cmpf ogt, %get3A_432, %select_n3A_424 : vector<16xf32>
        %broadcast_in_dim3A_434 = vector.broadcast %add3A_428 : i32 to vector<16xi32>
        %select_n3A_435 = arith.select %gt3A_433, %broadcast_in_dim3A_434, %select_n3A_423 : vector<16xi1>, vector<16xi32>
        %select_n3A_436 = arith.select %gt3A_433, %get3A_432, %select_n3A_424 : vector<16xi1>, vector<16xf32>
        scf.yield %select_n3A_436, %select_n3A_435 : vector<16xf32>, vector<16xi32>
      }
      %scan3A_330 = arith.constant 250 : i32
      %swap3A_331 = arith.constant 32 : index
      %swap3A_332 = tpu.vector_load %arg7[%swap3A_331] {strides = array<i32>} : memref<128xi32, #tpu.memory_space<vmem>>, vector<16xi32>,
      %swap3A_333 = vector.shape_cast %swap3A_332 : vector<16xi32> to vector<16xi32>
      %swap3A_334 = vector.shape_cast %scan3A_329#1 : vector<16xi32> to vector<16xi32>
      tpu.vector_store %arg7[%swap3A_331], %swap3A_334 {strides = array<i32>} : memref<128xi32, #tpu.memory_space<vmem>>, vector<16xi32>,
      %scan3A_335 = arith.constant 0 : i32
      %scan3A_336 = arith.constant 250 : i32
      %scan3A_337 = arith.addi %scan3A_335, %scan3A_336 : i32
      %scan3A_338 = arith.constant 1 : i32
      %scan3A_339:2 = scf.for %scan3A_387 = %scan3A_335 to %scan3A_337 step %scan3A_338 iter_args(%scan3A_388 = %broadcast_in_dim3A_303, %scan3A_389 = %broadcast_in_dim3A_305) -> (vector<16xf32>, vector<16xi32>)  : i32 {
        %mul3A_390 = arith.constant 4 : i32
        %mul3A_391 = arith.muli %scan3A_387, %mul3A_390 : i32
        %add3A_392 = arith.constant 0 : i32
        %add3A_393 = arith.addi %mul3A_391, %add3A_392 : i32
        %get3A_394 = arith.index_cast %add3A_393 : i32 to index
        %get3A_395 = arith.constant 48 : index
        %get3A_396 = tpu.vector_load %arg5[%get3A_394, %get3A_395] {strides = array<i32>} : memref<1000x128xf32, #tpu.memory_space<vmem>>, vector<1x16xf32>,
        %get3A_397 = vector.shape_cast %get3A_396 : vector<1x16xf32> to vector<16xf32>
        %gt3A = arith.cmpf ogt, %get3A_397, %scan3A_388 : vector<16xf32>
        %broadcast_in_dim3A_398 = vector.broadcast %add3A_393 : i32 to vector<16xi32>
        %select_n3A_399 = arith.select %gt3A, %broadcast_in_dim3A_398, %scan3A_389 : vector<16xi1>, vector<16xi32>
        %select_n3A_400 = arith.select %gt3A, %get3A_397, %scan3A_388 : vector<16xi1>, vector<16xf32>
        %mul3A_401 = arith.constant 4 : i32
        %mul3A_402 = arith.muli %scan3A_387, %mul3A_401 : i32
        %add3A_403 = arith.constant 1 : i32
        %add3A_404 = arith.addi %mul3A_402, %add3A_403 : i32
        %get3A_405 = arith.index_cast %add3A_404 : i32 to index
        %get3A_406 = arith.constant 48 : index
        %get3A_407 = tpu.vector_load %arg5[%get3A_405, %get3A_406] {strides = array<i32>} : memref<1000x128xf32, #tpu.memory_space<vmem>>, vector<1x16xf32>,
        %get3A_408 = vector.shape_cast %get3A_407 : vector<1x16xf32> to vector<16xf32>
        %gt3A_409 = arith.cmpf ogt, %get3A_408, %select_n3A_400 : vector<16xf32>
        %broadcast_in_dim3A_410 = vector.broadcast %add3A_404 : i32 to vector<16xi32>
        %select_n3A_411 = arith.select %gt3A_409, %broadcast_in_dim3A_410, %select_n3A_399 : vector<16xi1>, vector<16xi32>
        %select_n3A_412 = arith.select %gt3A_409, %get3A_408, %select_n3A_400 : vector<16xi1>, vector<16xf32>
        %mul3A_413 = arith.constant 4 : i32
        %mul3A_414 = arith.muli %scan3A_387, %mul3A_413 : i32
        %add3A_415 = arith.constant 2 : i32
        %add3A_416 = arith.addi %mul3A_414, %add3A_415 : i32
        %get3A_417 = arith.index_cast %add3A_416 : i32 to index
        %get3A_418 = arith.constant 48 : index
        %get3A_419 = tpu.vector_load %arg5[%get3A_417, %get3A_418] {strides = array<i32>} : memref<1000x128xf32, #tpu.memory_space<vmem>>, vector<1x16xf32>,
        %get3A_420 = vector.shape_cast %get3A_419 : vector<1x16xf32> to vector<16xf32>
        %gt3A_421 = arith.cmpf ogt, %get3A_420, %select_n3A_412 : vector<16xf32>
        %broadcast_in_dim3A_422 = vector.broadcast %add3A_416 : i32 to vector<16xi32>
        %select_n3A_423 = arith.select %gt3A_421, %broadcast_in_dim3A_422, %select_n3A_411 : vector<16xi1>, vector<16xi32>
        %select_n3A_424 = arith.select %gt3A_421, %get3A_420, %select_n3A_412 : vector<16xi1>, vector<16xf32>
        %mul3A_425 = arith.constant 4 : i32
        %mul3A_426 = arith.muli %scan3A_387, %mul3A_425 : i32
        %add3A_427 = arith.constant 3 : i32
        %add3A_428 = arith.addi %mul3A_426, %add3A_427 : i32
        %get3A_429 = arith.index_cast %add3A_428 : i32 to index
        %get3A_430 = arith.constant 48 : index
        %get3A_431 = tpu.vector_load %arg5[%get3A_429, %get3A_430] {strides = array<i32>} : memref<1000x128xf32, #tpu.memory_space<vmem>>, vector<1x16xf32>,
        %get3A_432 = vector.shape_cast %get3A_431 : vector<1x16xf32> to vector<16xf32>
        %gt3A_433 = arith.cmpf ogt, %get3A_432, %select_n3A_424 : vector<16xf32>
        %broadcast_in_dim3A_434 = vector.broadcast %add3A_428 : i32 to vector<16xi32>
        %select_n3A_435 = arith.select %gt3A_433, %broadcast_in_dim3A_434, %select_n3A_423 : vector<16xi1>, vector<16xi32>
        %select_n3A_436 = arith.select %gt3A_433, %get3A_432, %select_n3A_424 : vector<16xi1>, vector<16xf32>
        scf.yield %select_n3A_436, %select_n3A_435 : vector<16xf32>, vector<16xi32>
      }
      %scan3A_340 = arith.constant 250 : i32
      %swap3A_341 = arith.constant 48 : index
      %swap3A_342 = tpu.vector_load %arg7[%swap3A_341] {strides = array<i32>} : memref<128xi32, #tpu.memory_space<vmem>>, vector<16xi32>,
      %swap3A_343 = vector.shape_cast %swap3A_342 : vector<16xi32> to vector<16xi32>
      %swap3A_344 = vector.shape_cast %scan3A_339#1 : vector<16xi32> to vector<16xi32>
      tpu.vector_store %arg7[%swap3A_341], %swap3A_344 {strides = array<i32>} : memref<128xi32, #tpu.memory_space<vmem>>, vector<16xi32>,
      %scan3A_345 = arith.constant 0 : i32
      %scan3A_346 = arith.constant 250 : i32
      %scan3A_347 = arith.addi %scan3A_345, %scan3A_346 : i32
      %scan3A_348 = arith.constant 1 : i32
      %scan3A_349:2 = scf.for %scan3A_387 = %scan3A_345 to %scan3A_347 step %scan3A_348 iter_args(%scan3A_388 = %broadcast_in_dim3A_303, %scan3A_389 = %broadcast_in_dim3A_305) -> (vector<16xf32>, vector<16xi32>)  : i32 {
        %mul3A_390 = arith.constant 4 : i32
        %mul3A_391 = arith.muli %scan3A_387, %mul3A_390 : i32
        %add3A_392 = arith.constant 0 : i32
        %add3A_393 = arith.addi %mul3A_391, %add3A_392 : i32
        %get3A_394 = arith.index_cast %add3A_393 : i32 to index
        %get3A_395 = arith.constant 64 : index
        %get3A_396 = tpu.vector_load %arg5[%get3A_394, %get3A_395] {strides = array<i32>} : memref<1000x128xf32, #tpu.memory_space<vmem>>, vector<1x16xf32>,
        %get3A_397 = vector.shape_cast %get3A_396 : vector<1x16xf32> to vector<16xf32>
        %gt3A = arith.cmpf ogt, %get3A_397, %scan3A_388 : vector<16xf32>
        %broadcast_in_dim3A_398 = vector.broadcast %add3A_393 : i32 to vector<16xi32>
        %select_n3A_399 = arith.select %gt3A, %broadcast_in_dim3A_398, %scan3A_389 : vector<16xi1>, vector<16xi32>
        %select_n3A_400 = arith.select %gt3A, %get3A_397, %scan3A_388 : vector<16xi1>, vector<16xf32>
        %mul3A_401 = arith.constant 4 : i32
        %mul3A_402 = arith.muli %scan3A_387, %mul3A_401 : i32
        %add3A_403 = arith.constant 1 : i32
        %add3A_404 = arith.addi %mul3A_402, %add3A_403 : i32
        %get3A_405 = arith.index_cast %add3A_404 : i32 to index
        %get3A_406 = arith.constant 64 : index
        %get3A_407 = tpu.vector_load %arg5[%get3A_405, %get3A_406] {strides = array<i32>} : memref<1000x128xf32, #tpu.memory_space<vmem>>, vector<1x16xf32>,
        %get3A_408 = vector.shape_cast %get3A_407 : vector<1x16xf32> to vector<16xf32>
        %gt3A_409 = arith.cmpf ogt, %get3A_408, %select_n3A_400 : vector<16xf32>
        %broadcast_in_dim3A_410 = vector.broadcast %add3A_404 : i32 to vector<16xi32>
        %select_n3A_411 = arith.select %gt3A_409, %broadcast_in_dim3A_410, %select_n3A_399 : vector<16xi1>, vector<16xi32>
        %select_n3A_412 = arith.select %gt3A_409, %get3A_408, %select_n3A_400 : vector<16xi1>, vector<16xf32>
        %mul3A_413 = arith.constant 4 : i32
        %mul3A_414 = arith.muli %scan3A_387, %mul3A_413 : i32
        %add3A_415 = arith.constant 2 : i32
        %add3A_416 = arith.addi %mul3A_414, %add3A_415 : i32
        %get3A_417 = arith.index_cast %add3A_416 : i32 to index
        %get3A_418 = arith.constant 64 : index
        %get3A_419 = tpu.vector_load %arg5[%get3A_417, %get3A_418] {strides = array<i32>} : memref<1000x128xf32, #tpu.memory_space<vmem>>, vector<1x16xf32>,
        %get3A_420 = vector.shape_cast %get3A_419 : vector<1x16xf32> to vector<16xf32>
        %gt3A_421 = arith.cmpf ogt, %get3A_420, %select_n3A_412 : vector<16xf32>
        %broadcast_in_dim3A_422 = vector.broadcast %add3A_416 : i32 to vector<16xi32>
        %select_n3A_423 = arith.select %gt3A_421, %broadcast_in_dim3A_422, %select_n3A_411 : vector<16xi1>, vector<16xi32>
        %select_n3A_424 = arith.select %gt3A_421, %get3A_420, %select_n3A_412 : vector<16xi1>, vector<16xf32>
        %mul3A_425 = arith.constant 4 : i32
        %mul3A_426 = arith.muli %scan3A_387, %mul3A_425 : i32
        %add3A_427 = arith.constant 3 : i32
        %add3A_428 = arith.addi %mul3A_426, %add3A_427 : i32
        %get3A_429 = arith.index_cast %add3A_428 : i32 to index
        %get3A_430 = arith.constant 64 : index
        %get3A_431 = tpu.vector_load %arg5[%get3A_429, %get3A_430] {strides = array<i32>} : memref<1000x128xf32, #tpu.memory_space<vmem>>, vector<1x16xf32>,
        %get3A_432 = vector.shape_cast %get3A_431 : vector<1x16xf32> to vector<16xf32>
        %gt3A_433 = arith.cmpf ogt, %get3A_432, %select_n3A_424 : vector<16xf32>
        %broadcast_in_dim3A_434 = vector.broadcast %add3A_428 : i32 to vector<16xi32>
        %select_n3A_435 = arith.select %gt3A_433, %broadcast_in_dim3A_434, %select_n3A_423 : vector<16xi1>, vector<16xi32>
        %select_n3A_436 = arith.select %gt3A_433, %get3A_432, %select_n3A_424 : vector<16xi1>, vector<16xf32>
        scf.yield %select_n3A_436, %select_n3A_435 : vector<16xf32>, vector<16xi32>
      }
      %scan3A_350 = arith.constant 250 : i32
      %swap3A_351 = arith.constant 64 : index
      %swap3A_352 = tpu.vector_load %arg7[%swap3A_351] {strides = array<i32>} : memref<128xi32, #tpu.memory_space<vmem>>, vector<16xi32>,
      %swap3A_353 = vector.shape_cast %swap3A_352 : vector<16xi32> to vector<16xi32>
      %swap3A_354 = vector.shape_cast %scan3A_349#1 : vector<16xi32> to vector<16xi32>
      tpu.vector_store %arg7[%swap3A_351], %swap3A_354 {strides = array<i32>} : memref<128xi32, #tpu.memory_space<vmem>>, vector<16xi32>,
      %scan3A_355 = arith.constant 0 : i32
      %scan3A_356 = arith.constant 250 : i32
      %scan3A_357 = arith.addi %scan3A_355, %scan3A_356 : i32
      %scan3A_358 = arith.constant 1 : i32
      %scan3A_359:2 = scf.for %scan3A_387 = %scan3A_355 to %scan3A_357 step %scan3A_358 iter_args(%scan3A_388 = %broadcast_in_dim3A_303, %scan3A_389 = %broadcast_in_dim3A_305) -> (vector<16xf32>, vector<16xi32>)  : i32 {
        %mul3A_390 = arith.constant 4 : i32
        %mul3A_391 = arith.muli %scan3A_387, %mul3A_390 : i32
        %add3A_392 = arith.constant 0 : i32
        %add3A_393 = arith.addi %mul3A_391, %add3A_392 : i32
        %get3A_394 = arith.index_cast %add3A_393 : i32 to index
        %get3A_395 = arith.constant 80 : index
        %get3A_396 = tpu.vector_load %arg5[%get3A_394, %get3A_395] {strides = array<i32>} : memref<1000x128xf32, #tpu.memory_space<vmem>>, vector<1x16xf32>,
        %get3A_397 = vector.shape_cast %get3A_396 : vector<1x16xf32> to vector<16xf32>
        %gt3A = arith.cmpf ogt, %get3A_397, %scan3A_388 : vector<16xf32>
        %broadcast_in_dim3A_398 = vector.broadcast %add3A_393 : i32 to vector<16xi32>
        %select_n3A_399 = arith.select %gt3A, %broadcast_in_dim3A_398, %scan3A_389 : vector<16xi1>, vector<16xi32>
        %select_n3A_400 = arith.select %gt3A, %get3A_397, %scan3A_388 : vector<16xi1>, vector<16xf32>
        %mul3A_401 = arith.constant 4 : i32
        %mul3A_402 = arith.muli %scan3A_387, %mul3A_401 : i32
        %add3A_403 = arith.constant 1 : i32
        %add3A_404 = arith.addi %mul3A_402, %add3A_403 : i32
        %get3A_405 = arith.index_cast %add3A_404 : i32 to index
        %get3A_406 = arith.constant 80 : index
        %get3A_407 = tpu.vector_load %arg5[%get3A_405, %get3A_406] {strides = array<i32>} : memref<1000x128xf32, #tpu.memory_space<vmem>>, vector<1x16xf32>,
        %get3A_408 = vector.shape_cast %get3A_407 : vector<1x16xf32> to vector<16xf32>
        %gt3A_409 = arith.cmpf ogt, %get3A_408, %select_n3A_400 : vector<16xf32>
        %broadcast_in_dim3A_410 = vector.broadcast %add3A_404 : i32 to vector<16xi32>
        %select_n3A_411 = arith.select %gt3A_409, %broadcast_in_dim3A_410, %select_n3A_399 : vector<16xi1>, vector<16xi32>
        %select_n3A_412 = arith.select %gt3A_409, %get3A_408, %select_n3A_400 : vector<16xi1>, vector<16xf32>
        %mul3A_413 = arith.constant 4 : i32
        %mul3A_414 = arith.muli %scan3A_387, %mul3A_413 : i32
        %add3A_415 = arith.constant 2 : i32
        %add3A_416 = arith.addi %mul3A_414, %add3A_415 : i32
        %get3A_417 = arith.index_cast %add3A_416 : i32 to index
        %get3A_418 = arith.constant 80 : index
        %get3A_419 = tpu.vector_load %arg5[%get3A_417, %get3A_418] {strides = array<i32>} : memref<1000x128xf32, #tpu.memory_space<vmem>>, vector<1x16xf32>,
        %get3A_420 = vector.shape_cast %get3A_419 : vector<1x16xf32> to vector<16xf32>
        %gt3A_421 = arith.cmpf ogt, %get3A_420, %select_n3A_412 : vector<16xf32>
        %broadcast_in_dim3A_422 = vector.broadcast %add3A_416 : i32 to vector<16xi32>
        %select_n3A_423 = arith.select %gt3A_421, %broadcast_in_dim3A_422, %select_n3A_411 : vector<16xi1>, vector<16xi32>
        %select_n3A_424 = arith.select %gt3A_421, %get3A_420, %select_n3A_412 : vector<16xi1>, vector<16xf32>
        %mul3A_425 = arith.constant 4 : i32
        %mul3A_426 = arith.muli %scan3A_387, %mul3A_425 : i32
        %add3A_427 = arith.constant 3 : i32
        %add3A_428 = arith.addi %mul3A_426, %add3A_427 : i32
        %get3A_429 = arith.index_cast %add3A_428 : i32 to index
        %get3A_430 = arith.constant 80 : index
        %get3A_431 = tpu.vector_load %arg5[%get3A_429, %get3A_430] {strides = array<i32>} : memref<1000x128xf32, #tpu.memory_space<vmem>>, vector<1x16xf32>,
        %get3A_432 = vector.shape_cast %get3A_431 : vector<1x16xf32> to vector<16xf32>
        %gt3A_433 = arith.cmpf ogt, %get3A_432, %select_n3A_424 : vector<16xf32>
        %broadcast_in_dim3A_434 = vector.broadcast %add3A_428 : i32 to vector<16xi32>
        %select_n3A_435 = arith.select %gt3A_433, %broadcast_in_dim3A_434, %select_n3A_423 : vector<16xi1>, vector<16xi32>
        %select_n3A_436 = arith.select %gt3A_433, %get3A_432, %select_n3A_424 : vector<16xi1>, vector<16xf32>
        scf.yield %select_n3A_436, %select_n3A_435 : vector<16xf32>, vector<16xi32>
      }
      %scan3A_360 = arith.constant 250 : i32
      %swap3A_361 = arith.constant 80 : index
      %swap3A_362 = tpu.vector_load %arg7[%swap3A_361] {strides = array<i32>} : memref<128xi32, #tpu.memory_space<vmem>>, vector<16xi32>,
      %swap3A_363 = vector.shape_cast %swap3A_362 : vector<16xi32> to vector<16xi32>
      %swap3A_364 = vector.shape_cast %scan3A_359#1 : vector<16xi32> to vector<16xi32>
      tpu.vector_store %arg7[%swap3A_361], %swap3A_364 {strides = array<i32>} : memref<128xi32, #tpu.memory_space<vmem>>, vector<16xi32>,
      %scan3A_365 = arith.constant 0 : i32
      %scan3A_366 = arith.constant 250 : i32
      %scan3A_367 = arith.addi %scan3A_365, %scan3A_366 : i32
      %scan3A_368 = arith.constant 1 : i32
      %scan3A_369:2 = scf.for %scan3A_387 = %scan3A_365 to %scan3A_367 step %scan3A_368 iter_args(%scan3A_388 = %broadcast_in_dim3A_303, %scan3A_389 = %broadcast_in_dim3A_305) -> (vector<16xf32>, vector<16xi32>)  : i32 {
        %mul3A_390 = arith.constant 4 : i32
        %mul3A_391 = arith.muli %scan3A_387, %mul3A_390 : i32
        %add3A_392 = arith.constant 0 : i32
        %add3A_393 = arith.addi %mul3A_391, %add3A_392 : i32
        %get3A_394 = arith.index_cast %add3A_393 : i32 to index
        %get3A_395 = arith.constant 96 : index
        %get3A_396 = tpu.vector_load %arg5[%get3A_394, %get3A_395] {strides = array<i32>} : memref<1000x128xf32, #tpu.memory_space<vmem>>, vector<1x16xf32>,
        %get3A_397 = vector.shape_cast %get3A_396 : vector<1x16xf32> to vector<16xf32>
        %gt3A = arith.cmpf ogt, %get3A_397, %scan3A_388 : vector<16xf32>
        %broadcast_in_dim3A_398 = vector.broadcast %add3A_393 : i32 to vector<16xi32>
        %select_n3A_399 = arith.select %gt3A, %broadcast_in_dim3A_398, %scan3A_389 : vector<16xi1>, vector<16xi32>
        %select_n3A_400 = arith.select %gt3A, %get3A_397, %scan3A_388 : vector<16xi1>, vector<16xf32>
        %mul3A_401 = arith.constant 4 : i32
        %mul3A_402 = arith.muli %scan3A_387, %mul3A_401 : i32
        %add3A_403 = arith.constant 1 : i32
        %add3A_404 = arith.addi %mul3A_402, %add3A_403 : i32
        %get3A_405 = arith.index_cast %add3A_404 : i32 to index
        %get3A_406 = arith.constant 96 : index
        %get3A_407 = tpu.vector_load %arg5[%get3A_405, %get3A_406] {strides = array<i32>} : memref<1000x128xf32, #tpu.memory_space<vmem>>, vector<1x16xf32>,
        %get3A_408 = vector.shape_cast %get3A_407 : vector<1x16xf32> to vector<16xf32>
        %gt3A_409 = arith.cmpf ogt, %get3A_408, %select_n3A_400 : vector<16xf32>
        %broadcast_in_dim3A_410 = vector.broadcast %add3A_404 : i32 to vector<16xi32>
        %select_n3A_411 = arith.select %gt3A_409, %broadcast_in_dim3A_410, %select_n3A_399 : vector<16xi1>, vector<16xi32>
        %select_n3A_412 = arith.select %gt3A_409, %get3A_408, %select_n3A_400 : vector<16xi1>, vector<16xf32>
        %mul3A_413 = arith.constant 4 : i32
        %mul3A_414 = arith.muli %scan3A_387, %mul3A_413 : i32
        %add3A_415 = arith.constant 2 : i32
        %add3A_416 = arith.addi %mul3A_414, %add3A_415 : i32
        %get3A_417 = arith.index_cast %add3A_416 : i32 to index
        %get3A_418 = arith.constant 96 : index
        %get3A_419 = tpu.vector_load %arg5[%get3A_417, %get3A_418] {strides = array<i32>} : memref<1000x128xf32, #tpu.memory_space<vmem>>, vector<1x16xf32>,
        %get3A_420 = vector.shape_cast %get3A_419 : vector<1x16xf32> to vector<16xf32>
        %gt3A_421 = arith.cmpf ogt, %get3A_420, %select_n3A_412 : vector<16xf32>
        %broadcast_in_dim3A_422 = vector.broadcast %add3A_416 : i32 to vector<16xi32>
        %select_n3A_423 = arith.select %gt3A_421, %broadcast_in_dim3A_422, %select_n3A_411 : vector<16xi1>, vector<16xi32>
        %select_n3A_424 = arith.select %gt3A_421, %get3A_420, %select_n3A_412 : vector<16xi1>, vector<16xf32>
        %mul3A_425 = arith.constant 4 : i32
        %mul3A_426 = arith.muli %scan3A_387, %mul3A_425 : i32
        %add3A_427 = arith.constant 3 : i32
        %add3A_428 = arith.addi %mul3A_426, %add3A_427 : i32
        %get3A_429 = arith.index_cast %add3A_428 : i32 to index
        %get3A_430 = arith.constant 96 : index
        %get3A_431 = tpu.vector_load %arg5[%get3A_429, %get3A_430] {strides = array<i32>} : memref<1000x128xf32, #tpu.memory_space<vmem>>, vector<1x16xf32>,
        %get3A_432 = vector.shape_cast %get3A_431 : vector<1x16xf32> to vector<16xf32>
        %gt3A_433 = arith.cmpf ogt, %get3A_432, %select_n3A_424 : vector<16xf32>
        %broadcast_in_dim3A_434 = vector.broadcast %add3A_428 : i32 to vector<16xi32>
        %select_n3A_435 = arith.select %gt3A_433, %broadcast_in_dim3A_434, %select_n3A_423 : vector<16xi1>, vector<16xi32>
        %select_n3A_436 = arith.select %gt3A_433, %get3A_432, %select_n3A_424 : vector<16xi1>, vector<16xf32>
        scf.yield %select_n3A_436, %select_n3A_435 : vector<16xf32>, vector<16xi32>
      }
      %scan3A_370 = arith.constant 250 : i32
      %swap3A_371 = arith.constant 96 : index
      %swap3A_372 = tpu.vector_load %arg7[%swap3A_371] {strides = array<i32>} : memref<128xi32, #tpu.memory_space<vmem>>, vector<16xi32>,
      %swap3A_373 = vector.shape_cast %swap3A_372 : vector<16xi32> to vector<16xi32>
      %swap3A_374 = vector.shape_cast %scan3A_369#1 : vector<16xi32> to vector<16xi32>
      tpu.vector_store %arg7[%swap3A_371], %swap3A_374 {strides = array<i32>} : memref<128xi32, #tpu.memory_space<vmem>>, vector<16xi32>,
      %scan3A_375 = arith.constant 0 : i32
      %scan3A_376 = arith.constant 250 : i32
      %scan3A_377 = arith.addi %scan3A_375, %scan3A_376 : i32
      %scan3A_378 = arith.constant 1 : i32
      %scan3A_379:2 = scf.for %scan3A_387 = %scan3A_375 to %scan3A_377 step %scan3A_378 iter_args(%scan3A_388 = %broadcast_in_dim3A_303, %scan3A_389 = %broadcast_in_dim3A_305) -> (vector<16xf32>, vector<16xi32>)  : i32 {
        %mul3A_390 = arith.constant 4 : i32
        %mul3A_391 = arith.muli %scan3A_387, %mul3A_390 : i32
        %add3A_392 = arith.constant 0 : i32
        %add3A_393 = arith.addi %mul3A_391, %add3A_392 : i32
        %get3A_394 = arith.index_cast %add3A_393 : i32 to index
        %get3A_395 = arith.constant 112 : index
        %get3A_396 = tpu.vector_load %arg5[%get3A_394, %get3A_395] {strides = array<i32>} : memref<1000x128xf32, #tpu.memory_space<vmem>>, vector<1x16xf32>,
        %get3A_397 = vector.shape_cast %get3A_396 : vector<1x16xf32> to vector<16xf32>
        %gt3A = arith.cmpf ogt, %get3A_397, %scan3A_388 : vector<16xf32>
        %broadcast_in_dim3A_398 = vector.broadcast %add3A_393 : i32 to vector<16xi32>
        %select_n3A_399 = arith.select %gt3A, %broadcast_in_dim3A_398, %scan3A_389 : vector<16xi1>, vector<16xi32>
        %select_n3A_400 = arith.select %gt3A, %get3A_397, %scan3A_388 : vector<16xi1>, vector<16xf32>
        %mul3A_401 = arith.constant 4 : i32
        %mul3A_402 = arith.muli %scan3A_387, %mul3A_401 : i32
        %add3A_403 = arith.constant 1 : i32
        %add3A_404 = arith.addi %mul3A_402, %add3A_403 : i32
        %get3A_405 = arith.index_cast %add3A_404 : i32 to index
        %get3A_406 = arith.constant 112 : index
        %get3A_407 = tpu.vector_load %arg5[%get3A_405, %get3A_406] {strides = array<i32>} : memref<1000x128xf32, #tpu.memory_space<vmem>>, vector<1x16xf32>,
        %get3A_408 = vector.shape_cast %get3A_407 : vector<1x16xf32> to vector<16xf32>
        %gt3A_409 = arith.cmpf ogt, %get3A_408, %select_n3A_400 : vector<16xf32>
        %broadcast_in_dim3A_410 = vector.broadcast %add3A_404 : i32 to vector<16xi32>
        %select_n3A_411 = arith.select %gt3A_409, %broadcast_in_dim3A_410, %select_n3A_399 : vector<16xi1>, vector<16xi32>
        %select_n3A_412 = arith.select %gt3A_409, %get3A_408, %select_n3A_400 : vector<16xi1>, vector<16xf32>
        %mul3A_413 = arith.constant 4 : i32
        %mul3A_414 = arith.muli %scan3A_387, %mul3A_413 : i32
        %add3A_415 = arith.constant 2 : i32
        %add3A_416 = arith.addi %mul3A_414, %add3A_415 : i32
        %get3A_417 = arith.index_cast %add3A_416 : i32 to index
        %get3A_418 = arith.constant 112 : index
        %get3A_419 = tpu.vector_load %arg5[%get3A_417, %get3A_418] {strides = array<i32>} : memref<1000x128xf32, #tpu.memory_space<vmem>>, vector<1x16xf32>,
        %get3A_420 = vector.shape_cast %get3A_419 : vector<1x16xf32> to vector<16xf32>
        %gt3A_421 = arith.cmpf ogt, %get3A_420, %select_n3A_412 : vector<16xf32>
        %broadcast_in_dim3A_422 = vector.broadcast %add3A_416 : i32 to vector<16xi32>
        %select_n3A_423 = arith.select %gt3A_421, %broadcast_in_dim3A_422, %select_n3A_411 : vector<16xi1>, vector<16xi32>
        %select_n3A_424 = arith.select %gt3A_421, %get3A_420, %select_n3A_412 : vector<16xi1>, vector<16xf32>
        %mul3A_425 = arith.constant 4 : i32
        %mul3A_426 = arith.muli %scan3A_387, %mul3A_425 : i32
        %add3A_427 = arith.constant 3 : i32
        %add3A_428 = arith.addi %mul3A_426, %add3A_427 : i32
        %get3A_429 = arith.index_cast %add3A_428 : i32 to index
        %get3A_430 = arith.constant 112 : index
        %get3A_431 = tpu.vector_load %arg5[%get3A_429, %get3A_430] {strides = array<i32>} : memref<1000x128xf32, #tpu.memory_space<vmem>>, vector<1x16xf32>,
        %get3A_432 = vector.shape_cast %get3A_431 : vector<1x16xf32> to vector<16xf32>
        %gt3A_433 = arith.cmpf ogt, %get3A_432, %select_n3A_424 : vector<16xf32>
        %broadcast_in_dim3A_434 = vector.broadcast %add3A_428 : i32 to vector<16xi32>
        %select_n3A_435 = arith.select %gt3A_433, %broadcast_in_dim3A_434, %select_n3A_423 : vector<16xi1>, vector<16xi32>
        %select_n3A_436 = arith.select %gt3A_433, %get3A_432, %select_n3A_424 : vector<16xi1>, vector<16xf32>
        scf.yield %select_n3A_436, %select_n3A_435 : vector<16xf32>, vector<16xi32>
      }
      %scan3A_380 = arith.constant 250 : i32
      %swap3A_381 = arith.constant 112 : index
      %swap3A_382 = tpu.vector_load %arg7[%swap3A_381] {strides = array<i32>} : memref<128xi32, #tpu.memory_space<vmem>>, vector<16xi32>,
      %swap3A_383 = vector.shape_cast %swap3A_382 : vector<16xi32> to vector<16xi32>
      %swap3A_384 = vector.shape_cast %scan3A_379#1 : vector<16xi32> to vector<16xi32>
      tpu.vector_store %arg7[%swap3A_381], %swap3A_384 {strides = array<i32>} : memref<128xi32, #tpu.memory_space<vmem>>, vector<16xi32>,
      %mul3A_385 = arith.constant 128 : i32
      %mul3A_386 = arith.muli %select_n3A_28, %mul3A_385 : i32
      "tpu.region"() ({
        %run_scoped3A = tpu.sem_alloc : memref<!tpu.dma_semaphore, #tpu.memory_space<semaphore_mem>>
        %dma_start3A_387 = tpu.memref_slice %arg4[%select_n3A_7, %mul3A_386] : memref<7x256xi32, #tpu.memory_space<vmem_shared>> -> memref<1x128xi32, #tpu.memory_space<vmem_shared>>
        %dma_start3A_388 = tpu.memref_squeeze %dma_start3A_387 : memref<1x128xi32, #tpu.memory_space<vmem_shared>> -> memref<128xi32, #tpu.memory_space<vmem_shared>>
        %dma_start3A_389 = tpu.memref_slice %arg4[%select_n3A_7, %mul3A_386] : memref<7x256xi32, #tpu.memory_space<vmem_shared>> -> memref<1x128xi32, #tpu.memory_space<vmem_shared>>
        %dma_start3A_390 = tpu.memref_squeeze %dma_start3A_389 : memref<1x128xi32, #tpu.memory_space<vmem_shared>> -> memref<128xi32, #tpu.memory_space<vmem_shared>>
        tpu.enqueue_dma source(%arg7 : memref<128xi32, #tpu.memory_space<vmem>>) target(%dma_start3A_390 : memref<128xi32, #tpu.memory_space<vmem_shared>>) target_semaphore(%run_scoped3A : memref<!tpu.dma_semaphore, #tpu.memory_space<semaphore_mem>>)
        %dma_wait3A_391 = tpu.memref_slice %arg4[%select_n3A_7, %mul3A_386] : memref<7x256xi32, #tpu.memory_space<vmem_shared>> -> memref<1x128xi32, #tpu.memory_space<vmem_shared>>
        %dma_wait3A_392 = tpu.memref_squeeze %dma_wait3A_391 : memref<1x128xi32, #tpu.memory_space<vmem_shared>> -> memref<128xi32, #tpu.memory_space<vmem_shared>>
        %dma_wait3A_393 = tpu.memref_slice %arg4[%select_n3A_7, %mul3A_386] : memref<7x256xi32, #tpu.memory_space<vmem_shared>> -> memref<1x128xi32, #tpu.memory_space<vmem_shared>>
        %dma_wait3A_394 = tpu.memref_squeeze %dma_wait3A_393 : memref<1x128xi32, #tpu.memory_space<vmem_shared>> -> memref<128xi32, #tpu.memory_space<vmem_shared>>
        tpu.wait_dma2 semaphore(%run_scoped3A : memref<!tpu.dma_semaphore, #tpu.memory_space<semaphore_mem>>) src(%arg7 : memref<128xi32, #tpu.memory_space<vmem>>) dst(%dma_wait3A_394 : memref<128xi32, #tpu.memory_space<vmem_shared>>)
        tpu.yield
      }) : () -> ()
    } else {
    }
    %barrier3A = arith.constant 0 : index
    tpu.barrier barrier_id(%barrier3A)
    "tpu.region"() ({
      %run_scoped3A = tpu.sem_alloc : memref<!tpu.dma_semaphore, #tpu.memory_space<semaphore_mem>>
      tpu.enqueue_dma source(%arg4 : memref<7x256xi32, #tpu.memory_space<vmem_shared>>) target(%arg6 : memref<7x256xi32, #tpu.memory_space<vmem>>) target_semaphore(%run_scoped3A : memref<!tpu.dma_semaphore, #tpu.memory_space<semaphore_mem>>)
      tpu.wait_dma2 semaphore(%run_scoped3A : memref<!tpu.dma_semaphore, #tpu.memory_space<semaphore_mem>>) src(%arg4 : memref<7x256xi32, #tpu.memory_space<vmem_shared>>) dst(%arg6 : memref<7x256xi32, #tpu.memory_space<vmem>>)
      tpu.yield
    }) : () -> ()
    %mul3A_38 = arith.constant 16 : i32
    %mul3A_39 = arith.muli %arg1, %mul3A_38 : i32
    %get3A = arith.constant 0 : i32
    %get3A_40 = arith.index_cast %get3A : i32 to index
    %get3A_41 = arith.index_cast %mul3A_39 : i32 to index
    %get3A_42 = tpu.vector_load %arg6[%get3A_40, %get3A_41] {strides = array<i32>} : memref<7x256xi32, #tpu.memory_space<vmem>>, vector<1x16xi32>,
    %get3A_43 = vector.shape_cast %get3A_42 : vector<1x16xi32> to vector<16xi32>
    %mul3A_44 = arith.constant 16 : i32
    %mul3A_45 = arith.muli %arg1, %mul3A_44 : i32
    %get3A_46 = arith.constant 1 : i32
    %get3A_47 = arith.index_cast %get3A_46 : i32 to index
    %get3A_48 = arith.index_cast %mul3A_45 : i32 to index
    %get3A_49 = tpu.vector_load %arg6[%get3A_47, %get3A_48] {strides = array<i32>} : memref<7x256xi32, #tpu.memory_space<vmem>>, vector<1x16xi32>,
    %get3A_50 = vector.shape_cast %get3A_49 : vector<1x16xi32> to vector<16xi32>
    %mul3A_51 = arith.constant 16 : i32
    %mul3A_52 = arith.muli %arg1, %mul3A_51 : i32
    %get3A_53 = arith.constant 2 : i32
    %get3A_54 = arith.index_cast %get3A_53 : i32 to index
    %get3A_55 = arith.index_cast %mul3A_52 : i32 to index
    %get3A_56 = tpu.vector_load %arg6[%get3A_54, %get3A_55] {strides = array<i32>} : memref<7x256xi32, #tpu.memory_space<vmem>>, vector<1x16xi32>,
    %get3A_57 = vector.shape_cast %get3A_56 : vector<1x16xi32> to vector<16xi32>
    %mul3A_58 = arith.constant 16 : i32
    %mul3A_59 = arith.muli %arg1, %mul3A_58 : i32
    %get3A_60 = arith.constant 3 : i32
    %get3A_61 = arith.index_cast %get3A_60 : i32 to index
    %get3A_62 = arith.index_cast %mul3A_59 : i32 to index
    %get3A_63 = tpu.vector_load %arg6[%get3A_61, %get3A_62] {strides = array<i32>} : memref<7x256xi32, #tpu.memory_space<vmem>>, vector<1x16xi32>,
    %get3A_64 = vector.shape_cast %get3A_63 : vector<1x16xi32> to vector<16xi32>
    %mul3A_65 = arith.constant 16 : i32
    %mul3A_66 = arith.muli %arg1, %mul3A_65 : i32
    %get3A_67 = arith.constant 4 : i32
    %get3A_68 = arith.index_cast %get3A_67 : i32 to index
    %get3A_69 = arith.index_cast %mul3A_66 : i32 to index
    %get3A_70 = tpu.vector_load %arg6[%get3A_68, %get3A_69] {strides = array<i32>} : memref<7x256xi32, #tpu.memory_space<vmem>>, vector<1x16xi32>,
    %get3A_71 = vector.shape_cast %get3A_70 : vector<1x16xi32> to vector<16xi32>
    %mul3A_72 = arith.constant 16 : i32
    %mul3A_73 = arith.muli %arg1, %mul3A_72 : i32
    %get3A_74 = arith.constant 5 : i32
    %get3A_75 = arith.index_cast %get3A_74 : i32 to index
    %get3A_76 = arith.index_cast %mul3A_73 : i32 to index
    %get3A_77 = tpu.vector_load %arg6[%get3A_75, %get3A_76] {strides = array<i32>} : memref<7x256xi32, #tpu.memory_space<vmem>>, vector<1x16xi32>,
    %get3A_78 = vector.shape_cast %get3A_77 : vector<1x16xi32> to vector<16xi32>
    %mul3A_79 = arith.constant 16 : i32
    %mul3A_80 = arith.muli %arg1, %mul3A_79 : i32
    %get3A_81 = arith.constant 6 : i32
    %get3A_82 = arith.index_cast %get3A_81 : i32 to index
    %get3A_83 = arith.index_cast %mul3A_80 : i32 to index
    %get3A_84 = tpu.vector_load %arg6[%get3A_82, %get3A_83] {strides = array<i32>} : memref<7x256xi32, #tpu.memory_space<vmem>>, vector<1x16xi32>,
    %get3A_85 = vector.shape_cast %get3A_84 : vector<1x16xi32> to vector<16xi32>
    %broadcast_in_dim3A = arith.constant 1 : i32
    %broadcast_in_dim3A_86 = vector.broadcast %broadcast_in_dim3A : i32 to vector<16xi32>
    %broadcast_in_dim3A_87 = arith.constant 0 : i32
    %broadcast_in_dim3A_88 = vector.broadcast %broadcast_in_dim3A_87 : i32 to vector<16xi32>
    %broadcast_in_dim3A_89 = arith.constant -1 : i32
    %broadcast_in_dim3A_90 = vector.broadcast %broadcast_in_dim3A_89 : i32 to vector<16xi32>
    %broadcast_in_dim3A_91 = arith.constant 1024 : i32
    %broadcast_in_dim3A_92 = vector.broadcast %broadcast_in_dim3A_91 : i32 to vector<16xi32>
    %eq3A_93 = arith.cmpi eq, %get3A_43, %get3A_43 : vector<16xi32>
    %select_n3A_94 = arith.select %eq3A_93, %broadcast_in_dim3A_86, %broadcast_in_dim3A_88 : vector<16xi1>, vector<16xi32>
    %eq3A_95 = arith.cmpi eq, %get3A_50, %get3A_43 : vector<16xi32>
    %select_n3A_96 = arith.select %eq3A_95, %broadcast_in_dim3A_86, %broadcast_in_dim3A_88 : vector<16xi1>, vector<16xi32>
    %add3A_97 = arith.addi %select_n3A_94, %select_n3A_96 : vector<16xi32>
    %eq3A_98 = arith.cmpi eq, %get3A_57, %get3A_43 : vector<16xi32>
    %select_n3A_99 = arith.select %eq3A_98, %broadcast_in_dim3A_86, %broadcast_in_dim3A_88 : vector<16xi1>, vector<16xi32>
    %add3A_100 = arith.addi %add3A_97, %select_n3A_99 : vector<16xi32>
    %eq3A_101 = arith.cmpi eq, %get3A_64, %get3A_43 : vector<16xi32>
    %select_n3A_102 = arith.select %eq3A_101, %broadcast_in_dim3A_86, %broadcast_in_dim3A_88 : vector<16xi1>, vector<16xi32>
    %add3A_103 = arith.addi %add3A_100, %select_n3A_102 : vector<16xi32>
    %eq3A_104 = arith.cmpi eq, %get3A_71, %get3A_43 : vector<16xi32>
    %select_n3A_105 = arith.select %eq3A_104, %broadcast_in_dim3A_86, %broadcast_in_dim3A_88 : vector<16xi1>, vector<16xi32>
    %add3A_106 = arith.addi %add3A_103, %select_n3A_105 : vector<16xi32>
    %eq3A_107 = arith.cmpi eq, %get3A_78, %get3A_43 : vector<16xi32>
    %select_n3A_108 = arith.select %eq3A_107, %broadcast_in_dim3A_86, %broadcast_in_dim3A_88 : vector<16xi1>, vector<16xi32>
    %add3A_109 = arith.addi %add3A_106, %select_n3A_108 : vector<16xi32>
    %eq3A_110 = arith.cmpi eq, %get3A_85, %get3A_43 : vector<16xi32>
    %select_n3A_111 = arith.select %eq3A_110, %broadcast_in_dim3A_86, %broadcast_in_dim3A_88 : vector<16xi1>, vector<16xi32>
    %add3A_112 = arith.addi %add3A_109, %select_n3A_111 : vector<16xi32>
    %mul3A_113 = arith.muli %add3A_112, %broadcast_in_dim3A_92 : vector<16xi32>
    %sub3A_114 = arith.subi %mul3A_113, %get3A_43 : vector<16xi32>
    %eq3A_115 = arith.cmpi eq, %get3A_43, %get3A_50 : vector<16xi32>
    %select_n3A_116 = arith.select %eq3A_115, %broadcast_in_dim3A_86, %broadcast_in_dim3A_88 : vector<16xi1>, vector<16xi32>
    %eq3A_117 = arith.cmpi eq, %get3A_50, %get3A_50 : vector<16xi32>
    %select_n3A_118 = arith.select %eq3A_117, %broadcast_in_dim3A_86, %broadcast_in_dim3A_88 : vector<16xi1>, vector<16xi32>
    %add3A_119 = arith.addi %select_n3A_116, %select_n3A_118 : vector<16xi32>
    %eq3A_120 = arith.cmpi eq, %get3A_57, %get3A_50 : vector<16xi32>
    %select_n3A_121 = arith.select %eq3A_120, %broadcast_in_dim3A_86, %broadcast_in_dim3A_88 : vector<16xi1>, vector<16xi32>
    %add3A_122 = arith.addi %add3A_119, %select_n3A_121 : vector<16xi32>
    %eq3A_123 = arith.cmpi eq, %get3A_64, %get3A_50 : vector<16xi32>
    %select_n3A_124 = arith.select %eq3A_123, %broadcast_in_dim3A_86, %broadcast_in_dim3A_88 : vector<16xi1>, vector<16xi32>
    %add3A_125 = arith.addi %add3A_122, %select_n3A_124 : vector<16xi32>
    %eq3A_126 = arith.cmpi eq, %get3A_71, %get3A_50 : vector<16xi32>
    %select_n3A_127 = arith.select %eq3A_126, %broadcast_in_dim3A_86, %broadcast_in_dim3A_88 : vector<16xi1>, vector<16xi32>
    %add3A_128 = arith.addi %add3A_125, %select_n3A_127 : vector<16xi32>
    %eq3A_129 = arith.cmpi eq, %get3A_78, %get3A_50 : vector<16xi32>
    %select_n3A_130 = arith.select %eq3A_129, %broadcast_in_dim3A_86, %broadcast_in_dim3A_88 : vector<16xi1>, vector<16xi32>
    %add3A_131 = arith.addi %add3A_128, %select_n3A_130 : vector<16xi32>
    %eq3A_132 = arith.cmpi eq, %get3A_85, %get3A_50 : vector<16xi32>
    %select_n3A_133 = arith.select %eq3A_132, %broadcast_in_dim3A_86, %broadcast_in_dim3A_88 : vector<16xi1>, vector<16xi32>
    %add3A_134 = arith.addi %add3A_131, %select_n3A_133 : vector<16xi32>
    %mul3A_135 = arith.muli %add3A_134, %broadcast_in_dim3A_92 : vector<16xi32>
    %sub3A_136 = arith.subi %mul3A_135, %get3A_50 : vector<16xi32>
    %eq3A_137 = arith.cmpi eq, %get3A_43, %get3A_57 : vector<16xi32>
    %select_n3A_138 = arith.select %eq3A_137, %broadcast_in_dim3A_86, %broadcast_in_dim3A_88 : vector<16xi1>, vector<16xi32>
    %eq3A_139 = arith.cmpi eq, %get3A_50, %get3A_57 : vector<16xi32>
    %select_n3A_140 = arith.select %eq3A_139, %broadcast_in_dim3A_86, %broadcast_in_dim3A_88 : vector<16xi1>, vector<16xi32>
    %add3A_141 = arith.addi %select_n3A_138, %select_n3A_140 : vector<16xi32>
    %eq3A_142 = arith.cmpi eq, %get3A_57, %get3A_57 : vector<16xi32>
    %select_n3A_143 = arith.select %eq3A_142, %broadcast_in_dim3A_86, %broadcast_in_dim3A_88 : vector<16xi1>, vector<16xi32>
    %add3A_144 = arith.addi %add3A_141, %select_n3A_143 : vector<16xi32>
    %eq3A_145 = arith.cmpi eq, %get3A_64, %get3A_57 : vector<16xi32>
    %select_n3A_146 = arith.select %eq3A_145, %broadcast_in_dim3A_86, %broadcast_in_dim3A_88 : vector<16xi1>, vector<16xi32>
    %add3A_147 = arith.addi %add3A_144, %select_n3A_146 : vector<16xi32>
    %eq3A_148 = arith.cmpi eq, %get3A_71, %get3A_57 : vector<16xi32>
    %select_n3A_149 = arith.select %eq3A_148, %broadcast_in_dim3A_86, %broadcast_in_dim3A_88 : vector<16xi1>, vector<16xi32>
    %add3A_150 = arith.addi %add3A_147, %select_n3A_149 : vector<16xi32>
    %eq3A_151 = arith.cmpi eq, %get3A_78, %get3A_57 : vector<16xi32>
    %select_n3A_152 = arith.select %eq3A_151, %broadcast_in_dim3A_86, %broadcast_in_dim3A_88 : vector<16xi1>, vector<16xi32>
    %add3A_153 = arith.addi %add3A_150, %select_n3A_152 : vector<16xi32>
    %eq3A_154 = arith.cmpi eq, %get3A_85, %get3A_57 : vector<16xi32>
    %select_n3A_155 = arith.select %eq3A_154, %broadcast_in_dim3A_86, %broadcast_in_dim3A_88 : vector<16xi1>, vector<16xi32>
    %add3A_156 = arith.addi %add3A_153, %select_n3A_155 : vector<16xi32>
    %mul3A_157 = arith.muli %add3A_156, %broadcast_in_dim3A_92 : vector<16xi32>
    %sub3A_158 = arith.subi %mul3A_157, %get3A_57 : vector<16xi32>
    %eq3A_159 = arith.cmpi eq, %get3A_43, %get3A_64 : vector<16xi32>
    %select_n3A_160 = arith.select %eq3A_159, %broadcast_in_dim3A_86, %broadcast_in_dim3A_88 : vector<16xi1>, vector<16xi32>
    %eq3A_161 = arith.cmpi eq, %get3A_50, %get3A_64 : vector<16xi32>
    %select_n3A_162 = arith.select %eq3A_161, %broadcast_in_dim3A_86, %broadcast_in_dim3A_88 : vector<16xi1>, vector<16xi32>
    %add3A_163 = arith.addi %select_n3A_160, %select_n3A_162 : vector<16xi32>
    %eq3A_164 = arith.cmpi eq, %get3A_57, %get3A_64 : vector<16xi32>
    %select_n3A_165 = arith.select %eq3A_164, %broadcast_in_dim3A_86, %broadcast_in_dim3A_88 : vector<16xi1>, vector<16xi32>
    %add3A_166 = arith.addi %add3A_163, %select_n3A_165 : vector<16xi32>
    %eq3A_167 = arith.cmpi eq, %get3A_64, %get3A_64 : vector<16xi32>
    %select_n3A_168 = arith.select %eq3A_167, %broadcast_in_dim3A_86, %broadcast_in_dim3A_88 : vector<16xi1>, vector<16xi32>
    %add3A_169 = arith.addi %add3A_166, %select_n3A_168 : vector<16xi32>
    %eq3A_170 = arith.cmpi eq, %get3A_71, %get3A_64 : vector<16xi32>
    %select_n3A_171 = arith.select %eq3A_170, %broadcast_in_dim3A_86, %broadcast_in_dim3A_88 : vector<16xi1>, vector<16xi32>
    %add3A_172 = arith.addi %add3A_169, %select_n3A_171 : vector<16xi32>
    %eq3A_173 = arith.cmpi eq, %get3A_78, %get3A_64 : vector<16xi32>
    %select_n3A_174 = arith.select %eq3A_173, %broadcast_in_dim3A_86, %broadcast_in_dim3A_88 : vector<16xi1>, vector<16xi32>
    %add3A_175 = arith.addi %add3A_172, %select_n3A_174 : vector<16xi32>
    %eq3A_176 = arith.cmpi eq, %get3A_85, %get3A_64 : vector<16xi32>
    %select_n3A_177 = arith.select %eq3A_176, %broadcast_in_dim3A_86, %broadcast_in_dim3A_88 : vector<16xi1>, vector<16xi32>
    %add3A_178 = arith.addi %add3A_175, %select_n3A_177 : vector<16xi32>
    %mul3A_179 = arith.muli %add3A_178, %broadcast_in_dim3A_92 : vector<16xi32>
    %sub3A_180 = arith.subi %mul3A_179, %get3A_64 : vector<16xi32>
    %eq3A_181 = arith.cmpi eq, %get3A_43, %get3A_71 : vector<16xi32>
    %select_n3A_182 = arith.select %eq3A_181, %broadcast_in_dim3A_86, %broadcast_in_dim3A_88 : vector<16xi1>, vector<16xi32>
    %eq3A_183 = arith.cmpi eq, %get3A_50, %get3A_71 : vector<16xi32>
    %select_n3A_184 = arith.select %eq3A_183, %broadcast_in_dim3A_86, %broadcast_in_dim3A_88 : vector<16xi1>, vector<16xi32>
    %add3A_185 = arith.addi %select_n3A_182, %select_n3A_184 : vector<16xi32>
    %eq3A_186 = arith.cmpi eq, %get3A_57, %get3A_71 : vector<16xi32>
    %select_n3A_187 = arith.select %eq3A_186, %broadcast_in_dim3A_86, %broadcast_in_dim3A_88 : vector<16xi1>, vector<16xi32>
    %add3A_188 = arith.addi %add3A_185, %select_n3A_187 : vector<16xi32>
    %eq3A_189 = arith.cmpi eq, %get3A_64, %get3A_71 : vector<16xi32>
    %select_n3A_190 = arith.select %eq3A_189, %broadcast_in_dim3A_86, %broadcast_in_dim3A_88 : vector<16xi1>, vector<16xi32>
    %add3A_191 = arith.addi %add3A_188, %select_n3A_190 : vector<16xi32>
    %eq3A_192 = arith.cmpi eq, %get3A_71, %get3A_71 : vector<16xi32>
    %select_n3A_193 = arith.select %eq3A_192, %broadcast_in_dim3A_86, %broadcast_in_dim3A_88 : vector<16xi1>, vector<16xi32>
    %add3A_194 = arith.addi %add3A_191, %select_n3A_193 : vector<16xi32>
    %eq3A_195 = arith.cmpi eq, %get3A_78, %get3A_71 : vector<16xi32>
    %select_n3A_196 = arith.select %eq3A_195, %broadcast_in_dim3A_86, %broadcast_in_dim3A_88 : vector<16xi1>, vector<16xi32>
    %add3A_197 = arith.addi %add3A_194, %select_n3A_196 : vector<16xi32>
    %eq3A_198 = arith.cmpi eq, %get3A_85, %get3A_71 : vector<16xi32>
    %select_n3A_199 = arith.select %eq3A_198, %broadcast_in_dim3A_86, %broadcast_in_dim3A_88 : vector<16xi1>, vector<16xi32>
    %add3A_200 = arith.addi %add3A_197, %select_n3A_199 : vector<16xi32>
    %mul3A_201 = arith.muli %add3A_200, %broadcast_in_dim3A_92 : vector<16xi32>
    %sub3A_202 = arith.subi %mul3A_201, %get3A_71 : vector<16xi32>
    %eq3A_203 = arith.cmpi eq, %get3A_43, %get3A_78 : vector<16xi32>
    %select_n3A_204 = arith.select %eq3A_203, %broadcast_in_dim3A_86, %broadcast_in_dim3A_88 : vector<16xi1>, vector<16xi32>
    %eq3A_205 = arith.cmpi eq, %get3A_50, %get3A_78 : vector<16xi32>
    %select_n3A_206 = arith.select %eq3A_205, %broadcast_in_dim3A_86, %broadcast_in_dim3A_88 : vector<16xi1>, vector<16xi32>
    %add3A_207 = arith.addi %select_n3A_204, %select_n3A_206 : vector<16xi32>
    %eq3A_208 = arith.cmpi eq, %get3A_57, %get3A_78 : vector<16xi32>
    %select_n3A_209 = arith.select %eq3A_208, %broadcast_in_dim3A_86, %broadcast_in_dim3A_88 : vector<16xi1>, vector<16xi32>
    %add3A_210 = arith.addi %add3A_207, %select_n3A_209 : vector<16xi32>
    %eq3A_211 = arith.cmpi eq, %get3A_64, %get3A_78 : vector<16xi32>
    %select_n3A_212 = arith.select %eq3A_211, %broadcast_in_dim3A_86, %broadcast_in_dim3A_88 : vector<16xi1>, vector<16xi32>
    %add3A_213 = arith.addi %add3A_210, %select_n3A_212 : vector<16xi32>
    %eq3A_214 = arith.cmpi eq, %get3A_71, %get3A_78 : vector<16xi32>
    %select_n3A_215 = arith.select %eq3A_214, %broadcast_in_dim3A_86, %broadcast_in_dim3A_88 : vector<16xi1>, vector<16xi32>
    %add3A_216 = arith.addi %add3A_213, %select_n3A_215 : vector<16xi32>
    %eq3A_217 = arith.cmpi eq, %get3A_78, %get3A_78 : vector<16xi32>
    %select_n3A_218 = arith.select %eq3A_217, %broadcast_in_dim3A_86, %broadcast_in_dim3A_88 : vector<16xi1>, vector<16xi32>
    %add3A_219 = arith.addi %add3A_216, %select_n3A_218 : vector<16xi32>
    %eq3A_220 = arith.cmpi eq, %get3A_85, %get3A_78 : vector<16xi32>
    %select_n3A_221 = arith.select %eq3A_220, %broadcast_in_dim3A_86, %broadcast_in_dim3A_88 : vector<16xi1>, vector<16xi32>
    %add3A_222 = arith.addi %add3A_219, %select_n3A_221 : vector<16xi32>
    %mul3A_223 = arith.muli %add3A_222, %broadcast_in_dim3A_92 : vector<16xi32>
    %sub3A_224 = arith.subi %mul3A_223, %get3A_78 : vector<16xi32>
    %eq3A_225 = arith.cmpi eq, %get3A_43, %get3A_85 : vector<16xi32>
    %select_n3A_226 = arith.select %eq3A_225, %broadcast_in_dim3A_86, %broadcast_in_dim3A_88 : vector<16xi1>, vector<16xi32>
    %eq3A_227 = arith.cmpi eq, %get3A_50, %get3A_85 : vector<16xi32>
    %select_n3A_228 = arith.select %eq3A_227, %broadcast_in_dim3A_86, %broadcast_in_dim3A_88 : vector<16xi1>, vector<16xi32>
    %add3A_229 = arith.addi %select_n3A_226, %select_n3A_228 : vector<16xi32>
    %eq3A_230 = arith.cmpi eq, %get3A_57, %get3A_85 : vector<16xi32>
    %select_n3A_231 = arith.select %eq3A_230, %broadcast_in_dim3A_86, %broadcast_in_dim3A_88 : vector<16xi1>, vector<16xi32>
    %add3A_232 = arith.addi %add3A_229, %select_n3A_231 : vector<16xi32>
    %eq3A_233 = arith.cmpi eq, %get3A_64, %get3A_85 : vector<16xi32>
    %select_n3A_234 = arith.select %eq3A_233, %broadcast_in_dim3A_86, %broadcast_in_dim3A_88 : vector<16xi1>, vector<16xi32>
    %add3A_235 = arith.addi %add3A_232, %select_n3A_234 : vector<16xi32>
    %eq3A_236 = arith.cmpi eq, %get3A_71, %get3A_85 : vector<16xi32>
    %select_n3A_237 = arith.select %eq3A_236, %broadcast_in_dim3A_86, %broadcast_in_dim3A_88 : vector<16xi1>, vector<16xi32>
    %add3A_238 = arith.addi %add3A_235, %select_n3A_237 : vector<16xi32>
    %eq3A_239 = arith.cmpi eq, %get3A_78, %get3A_85 : vector<16xi32>
    %select_n3A_240 = arith.select %eq3A_239, %broadcast_in_dim3A_86, %broadcast_in_dim3A_88 : vector<16xi1>, vector<16xi32>
    %add3A_241 = arith.addi %add3A_238, %select_n3A_240 : vector<16xi32>
    %eq3A_242 = arith.cmpi eq, %get3A_85, %get3A_85 : vector<16xi32>
    %select_n3A_243 = arith.select %eq3A_242, %broadcast_in_dim3A_86, %broadcast_in_dim3A_88 : vector<16xi1>, vector<16xi32>
    %add3A_244 = arith.addi %add3A_241, %select_n3A_243 : vector<16xi32>
    %mul3A_245 = arith.muli %add3A_244, %broadcast_in_dim3A_92 : vector<16xi32>
    %sub3A_246 = arith.subi %mul3A_245, %get3A_85 : vector<16xi32>
    %max3A = arith.maxsi %sub3A_114, %sub3A_136 : vector<16xi32>
    %max3A_247 = arith.maxsi %max3A, %sub3A_158 : vector<16xi32>
    %max3A_248 = arith.maxsi %max3A_247, %sub3A_180 : vector<16xi32>
    %max3A_249 = arith.maxsi %max3A_248, %sub3A_202 : vector<16xi32>
    %max3A_250 = arith.maxsi %max3A_249, %sub3A_224 : vector<16xi32>
    %max3A_251 = arith.maxsi %max3A_250, %sub3A_246 : vector<16xi32>
    %eq3A_252 = arith.cmpi eq, %sub3A_114, %max3A_251 : vector<16xi32>
    %select_n3A_253 = arith.select %eq3A_252, %broadcast_in_dim3A_88, %broadcast_in_dim3A_90 : vector<16xi1>, vector<16xi32>
    %broadcast_in_dim3A_254 = arith.constant 1 : i32
    %broadcast_in_dim3A_255 = vector.broadcast %broadcast_in_dim3A_254 : i32 to vector<16xi32>
    %eq3A_256 = arith.cmpi eq, %sub3A_136, %max3A_251 : vector<16xi32>
    %select_n3A_257 = arith.select %eq3A_256, %broadcast_in_dim3A_255, %broadcast_in_dim3A_90 : vector<16xi1>, vector<16xi32>
    %max3A_258 = arith.maxsi %select_n3A_253, %select_n3A_257 : vector<16xi32>
    %broadcast_in_dim3A_259 = arith.constant 2 : i32
    %broadcast_in_dim3A_260 = vector.broadcast %broadcast_in_dim3A_259 : i32 to vector<16xi32>
    %eq3A_261 = arith.cmpi eq, %sub3A_158, %max3A_251 : vector<16xi32>
    %select_n3A_262 = arith.select %eq3A_261, %broadcast_in_dim3A_260, %broadcast_in_dim3A_90 : vector<16xi1>, vector<16xi32>
    %max3A_263 = arith.maxsi %max3A_258, %select_n3A_262 : vector<16xi32>
    %broadcast_in_dim3A_264 = arith.constant 3 : i32
    %broadcast_in_dim3A_265 = vector.broadcast %broadcast_in_dim3A_264 : i32 to vector<16xi32>
    %eq3A_266 = arith.cmpi eq, %sub3A_180, %max3A_251 : vector<16xi32>
    %select_n3A_267 = arith.select %eq3A_266, %broadcast_in_dim3A_265, %broadcast_in_dim3A_90 : vector<16xi1>, vector<16xi32>
    %max3A_268 = arith.maxsi %max3A_263, %select_n3A_267 : vector<16xi32>
    %broadcast_in_dim3A_269 = arith.constant 4 : i32
    %broadcast_in_dim3A_270 = vector.broadcast %broadcast_in_dim3A_269 : i32 to vector<16xi32>
    %eq3A_271 = arith.cmpi eq, %sub3A_202, %max3A_251 : vector<16xi32>
    %select_n3A_272 = arith.select %eq3A_271, %broadcast_in_dim3A_270, %broadcast_in_dim3A_90 : vector<16xi1>, vector<16xi32>
    %max3A_273 = arith.maxsi %max3A_268, %select_n3A_272 : vector<16xi32>
    %broadcast_in_dim3A_274 = arith.constant 5 : i32
    %broadcast_in_dim3A_275 = vector.broadcast %broadcast_in_dim3A_274 : i32 to vector<16xi32>
    %eq3A_276 = arith.cmpi eq, %sub3A_224, %max3A_251 : vector<16xi32>
    %select_n3A_277 = arith.select %eq3A_276, %broadcast_in_dim3A_275, %broadcast_in_dim3A_90 : vector<16xi1>, vector<16xi32>
    %max3A_278 = arith.maxsi %max3A_273, %select_n3A_277 : vector<16xi32>
    %broadcast_in_dim3A_279 = arith.constant 6 : i32
    %broadcast_in_dim3A_280 = vector.broadcast %broadcast_in_dim3A_279 : i32 to vector<16xi32>
    %eq3A_281 = arith.cmpi eq, %sub3A_246, %max3A_251 : vector<16xi32>
    %select_n3A_282 = arith.select %eq3A_281, %broadcast_in_dim3A_280, %broadcast_in_dim3A_90 : vector<16xi1>, vector<16xi32>
    %max3A_283 = arith.maxsi %max3A_278, %select_n3A_282 : vector<16xi32>
    %swap3A = arith.constant 0 : index
    %swap3A_284 = tpu.vector_load %arg8[%swap3A] {strides = array<i32>} : memref<16xi32, #tpu.memory_space<vmem>>, vector<16xi32>,
    %swap3A_285 = vector.shape_cast %swap3A_284 : vector<16xi32> to vector<16xi32>
    %swap3A_286 = vector.shape_cast %max3A_283 : vector<16xi32> to vector<16xi32>
    tpu.vector_store %arg8[%swap3A], %swap3A_286 {strides = array<i32>} : memref<16xi32, #tpu.memory_space<vmem>>, vector<16xi32>,
    %mul3A_287 = arith.constant 256 : i32
    %mul3A_288 = arith.muli %arg0, %mul3A_287 : i32
    %mul3A_289 = arith.constant 16 : i32
    %mul3A_290 = arith.muli %arg1, %mul3A_289 : i32
    %add3A_291 = arith.addi %mul3A_288, %mul3A_290 : i32
    "tpu.region"() ({
      %run_scoped3A = tpu.sem_alloc : memref<!tpu.dma_semaphore, #tpu.memory_space<semaphore_mem>>
      %dma_start3A = tpu.memref_slice %arg3[%add3A_291] : memref<512xi32, #tpu.memory_space<hbm>> -> memref<16xi32, #tpu.memory_space<hbm>>
      %dma_start3A_292 = tpu.memref_slice %arg3[%add3A_291] : memref<512xi32, #tpu.memory_space<hbm>> -> memref<16xi32, #tpu.memory_space<hbm>>
      tpu.enqueue_dma source(%arg8 : memref<16xi32, #tpu.memory_space<vmem>>) target(%dma_start3A_292 : memref<16xi32, #tpu.memory_space<hbm>>) target_semaphore(%run_scoped3A : memref<!tpu.dma_semaphore, #tpu.memory_space<semaphore_mem>>)
      %dma_wait3A = tpu.memref_slice %arg3[%add3A_291] : memref<512xi32, #tpu.memory_space<hbm>> -> memref<16xi32, #tpu.memory_space<hbm>>
      %dma_wait3A_293 = tpu.memref_slice %arg3[%add3A_291] : memref<512xi32, #tpu.memory_space<hbm>> -> memref<16xi32, #tpu.memory_space<hbm>>
      tpu.wait_dma2 semaphore(%run_scoped3A : memref<!tpu.dma_semaphore, #tpu.memory_space<semaphore_mem>>) src(%arg8 : memref<16xi32, #tpu.memory_space<vmem>>) dst(%dma_wait3A_293 : memref<16xi32, #tpu.memory_space<hbm>>)
      tpu.yield
    }) : () -> ()
    return
  }
}

module attributes {stable_mosaic.version = 14 : i64} {
  func.func @_majority_kernel(%arg0: i32, %arg1: memref<7x1000x256xf32, #tpu.memory_space<vmem>>, %arg2: memref<256xi32, #tpu.memory_space<vmem>>) attributes {dimension_semantics = [#tpu.dimension_semantics<arbitrary>], iteration_bounds = array<i64: 14>, scalar_prefetch = 0 : i64, scratch_operands = 0 : i64, tpu.core_type = #tpu.core_type<tc>, window_params = [{transform_indices = @transform_0, window_bounds = array<i64: 7, 1000, 256>}, {transform_indices = @transform_1, window_bounds = array<i64: 256>}]} {
    %get3A = arith.constant 0 : index
    %get3A_0 = arith.constant 0 : index
    %get3A_1 = arith.constant 0 : index
    %get3A_2 = vector.load %arg1[%get3A, %get3A_0, %get3A_1] : memref<7x1000x256xf32, #tpu.memory_space<vmem>>, vector<7x1000x256xf32>
    %argmax3A = tpu.reduce_index %get3A_2 {axis = 1 : i32, kind = #tpu.reduction_kind<arg_max>} : vector<7x1000x256xf32> -> vector<7x256xi32>
    %slice3A = vector.extract_strided_slice %argmax3A {offsets = [0, 0], sizes = [1, 256], strides = [1, 1]} : vector<7x256xi32> to vector<1x256xi32>
    %squeeze3A = vector.shape_cast %slice3A : vector<1x256xi32> to vector<256xi32>
    %slice3A_3 = vector.extract_strided_slice %argmax3A {offsets = [1, 0], sizes = [1, 256], strides = [1, 1]} : vector<7x256xi32> to vector<1x256xi32>
    %squeeze3A_4 = vector.shape_cast %slice3A_3 : vector<1x256xi32> to vector<256xi32>
    %slice3A_5 = vector.extract_strided_slice %argmax3A {offsets = [2, 0], sizes = [1, 256], strides = [1, 1]} : vector<7x256xi32> to vector<1x256xi32>
    %squeeze3A_6 = vector.shape_cast %slice3A_5 : vector<1x256xi32> to vector<256xi32>
    %slice3A_7 = vector.extract_strided_slice %argmax3A {offsets = [3, 0], sizes = [1, 256], strides = [1, 1]} : vector<7x256xi32> to vector<1x256xi32>
    %squeeze3A_8 = vector.shape_cast %slice3A_7 : vector<1x256xi32> to vector<256xi32>
    %slice3A_9 = vector.extract_strided_slice %argmax3A {offsets = [4, 0], sizes = [1, 256], strides = [1, 1]} : vector<7x256xi32> to vector<1x256xi32>
    %squeeze3A_10 = vector.shape_cast %slice3A_9 : vector<1x256xi32> to vector<256xi32>
    %slice3A_11 = vector.extract_strided_slice %argmax3A {offsets = [5, 0], sizes = [1, 256], strides = [1, 1]} : vector<7x256xi32> to vector<1x256xi32>
    %squeeze3A_12 = vector.shape_cast %slice3A_11 : vector<1x256xi32> to vector<256xi32>
    %slice3A_13 = vector.extract_strided_slice %argmax3A {offsets = [6, 0], sizes = [1, 256], strides = [1, 1]} : vector<7x256xi32> to vector<1x256xi32>
    %squeeze3A_14 = vector.shape_cast %slice3A_13 : vector<1x256xi32> to vector<256xi32>
    %eq3A = arith.cmpi eq, %squeeze3A, %squeeze3A : vector<256xi32>
    %convert_element_type3A = arith.extui %eq3A : vector<256xi1> to vector<256xi32>
    %eq3A_15 = arith.cmpi eq, %squeeze3A_4, %squeeze3A : vector<256xi32>
    %convert_element_type3A_16 = arith.extui %eq3A_15 : vector<256xi1> to vector<256xi32>
    %add3A = arith.addi %convert_element_type3A, %convert_element_type3A_16 : vector<256xi32>
    %eq3A_17 = arith.cmpi eq, %squeeze3A_6, %squeeze3A : vector<256xi32>
    %convert_element_type3A_18 = arith.extui %eq3A_17 : vector<256xi1> to vector<256xi32>
    %add3A_19 = arith.addi %add3A, %convert_element_type3A_18 : vector<256xi32>
    %eq3A_20 = arith.cmpi eq, %squeeze3A_8, %squeeze3A : vector<256xi32>
    %convert_element_type3A_21 = arith.extui %eq3A_20 : vector<256xi1> to vector<256xi32>
    %add3A_22 = arith.addi %add3A_19, %convert_element_type3A_21 : vector<256xi32>
    %eq3A_23 = arith.cmpi eq, %squeeze3A_10, %squeeze3A : vector<256xi32>
    %convert_element_type3A_24 = arith.extui %eq3A_23 : vector<256xi1> to vector<256xi32>
    %add3A_25 = arith.addi %add3A_22, %convert_element_type3A_24 : vector<256xi32>
    %eq3A_26 = arith.cmpi eq, %squeeze3A_12, %squeeze3A : vector<256xi32>
    %convert_element_type3A_27 = arith.extui %eq3A_26 : vector<256xi1> to vector<256xi32>
    %add3A_28 = arith.addi %add3A_25, %convert_element_type3A_27 : vector<256xi32>
    %eq3A_29 = arith.cmpi eq, %squeeze3A_14, %squeeze3A : vector<256xi32>
    %convert_element_type3A_30 = arith.extui %eq3A_29 : vector<256xi1> to vector<256xi32>
    %add3A_31 = arith.addi %add3A_28, %convert_element_type3A_30 : vector<256xi32>
    %mul3A = arith.constant 1024 : i32
    %mul3A_32 = vector.broadcast %mul3A : i32 to vector<256xi32>
    %mul3A_33 = arith.muli %add3A_31, %mul3A_32 : vector<256xi32>
    %sub3A = arith.subi %mul3A_33, %squeeze3A : vector<256xi32>
    %eq3A_34 = arith.cmpi eq, %squeeze3A, %squeeze3A_4 : vector<256xi32>
    %convert_element_type3A_35 = arith.extui %eq3A_34 : vector<256xi1> to vector<256xi32>
    %eq3A_36 = arith.cmpi eq, %squeeze3A_4, %squeeze3A_4 : vector<256xi32>
    %convert_element_type3A_37 = arith.extui %eq3A_36 : vector<256xi1> to vector<256xi32>
    %add3A_38 = arith.addi %convert_element_type3A_35, %convert_element_type3A_37 : vector<256xi32>
    %eq3A_39 = arith.cmpi eq, %squeeze3A_6, %squeeze3A_4 : vector<256xi32>
    %convert_element_type3A_40 = arith.extui %eq3A_39 : vector<256xi1> to vector<256xi32>
    %add3A_41 = arith.addi %add3A_38, %convert_element_type3A_40 : vector<256xi32>
    %eq3A_42 = arith.cmpi eq, %squeeze3A_8, %squeeze3A_4 : vector<256xi32>
    %convert_element_type3A_43 = arith.extui %eq3A_42 : vector<256xi1> to vector<256xi32>
    %add3A_44 = arith.addi %add3A_41, %convert_element_type3A_43 : vector<256xi32>
    %eq3A_45 = arith.cmpi eq, %squeeze3A_10, %squeeze3A_4 : vector<256xi32>
    %convert_element_type3A_46 = arith.extui %eq3A_45 : vector<256xi1> to vector<256xi32>
    %add3A_47 = arith.addi %add3A_44, %convert_element_type3A_46 : vector<256xi32>
    %eq3A_48 = arith.cmpi eq, %squeeze3A_12, %squeeze3A_4 : vector<256xi32>
    %convert_element_type3A_49 = arith.extui %eq3A_48 : vector<256xi1> to vector<256xi32>
    %add3A_50 = arith.addi %add3A_47, %convert_element_type3A_49 : vector<256xi32>
    %eq3A_51 = arith.cmpi eq, %squeeze3A_14, %squeeze3A_4 : vector<256xi32>
    %convert_element_type3A_52 = arith.extui %eq3A_51 : vector<256xi1> to vector<256xi32>
    %add3A_53 = arith.addi %add3A_50, %convert_element_type3A_52 : vector<256xi32>
    %mul3A_54 = arith.constant 1024 : i32
    %mul3A_55 = vector.broadcast %mul3A_54 : i32 to vector<256xi32>
    %mul3A_56 = arith.muli %add3A_53, %mul3A_55 : vector<256xi32>
    %sub3A_57 = arith.subi %mul3A_56, %squeeze3A_4 : vector<256xi32>
    %eq3A_58 = arith.cmpi eq, %squeeze3A, %squeeze3A_6 : vector<256xi32>
    %convert_element_type3A_59 = arith.extui %eq3A_58 : vector<256xi1> to vector<256xi32>
    %eq3A_60 = arith.cmpi eq, %squeeze3A_4, %squeeze3A_6 : vector<256xi32>
    %convert_element_type3A_61 = arith.extui %eq3A_60 : vector<256xi1> to vector<256xi32>
    %add3A_62 = arith.addi %convert_element_type3A_59, %convert_element_type3A_61 : vector<256xi32>
    %eq3A_63 = arith.cmpi eq, %squeeze3A_6, %squeeze3A_6 : vector<256xi32>
    %convert_element_type3A_64 = arith.extui %eq3A_63 : vector<256xi1> to vector<256xi32>
    %add3A_65 = arith.addi %add3A_62, %convert_element_type3A_64 : vector<256xi32>
    %eq3A_66 = arith.cmpi eq, %squeeze3A_8, %squeeze3A_6 : vector<256xi32>
    %convert_element_type3A_67 = arith.extui %eq3A_66 : vector<256xi1> to vector<256xi32>
    %add3A_68 = arith.addi %add3A_65, %convert_element_type3A_67 : vector<256xi32>
    %eq3A_69 = arith.cmpi eq, %squeeze3A_10, %squeeze3A_6 : vector<256xi32>
    %convert_element_type3A_70 = arith.extui %eq3A_69 : vector<256xi1> to vector<256xi32>
    %add3A_71 = arith.addi %add3A_68, %convert_element_type3A_70 : vector<256xi32>
    %eq3A_72 = arith.cmpi eq, %squeeze3A_12, %squeeze3A_6 : vector<256xi32>
    %convert_element_type3A_73 = arith.extui %eq3A_72 : vector<256xi1> to vector<256xi32>
    %add3A_74 = arith.addi %add3A_71, %convert_element_type3A_73 : vector<256xi32>
    %eq3A_75 = arith.cmpi eq, %squeeze3A_14, %squeeze3A_6 : vector<256xi32>
    %convert_element_type3A_76 = arith.extui %eq3A_75 : vector<256xi1> to vector<256xi32>
    %add3A_77 = arith.addi %add3A_74, %convert_element_type3A_76 : vector<256xi32>
    %mul3A_78 = arith.constant 1024 : i32
    %mul3A_79 = vector.broadcast %mul3A_78 : i32 to vector<256xi32>
    %mul3A_80 = arith.muli %add3A_77, %mul3A_79 : vector<256xi32>
    %sub3A_81 = arith.subi %mul3A_80, %squeeze3A_6 : vector<256xi32>
    %eq3A_82 = arith.cmpi eq, %squeeze3A, %squeeze3A_8 : vector<256xi32>
    %convert_element_type3A_83 = arith.extui %eq3A_82 : vector<256xi1> to vector<256xi32>
    %eq3A_84 = arith.cmpi eq, %squeeze3A_4, %squeeze3A_8 : vector<256xi32>
    %convert_element_type3A_85 = arith.extui %eq3A_84 : vector<256xi1> to vector<256xi32>
    %add3A_86 = arith.addi %convert_element_type3A_83, %convert_element_type3A_85 : vector<256xi32>
    %eq3A_87 = arith.cmpi eq, %squeeze3A_6, %squeeze3A_8 : vector<256xi32>
    %convert_element_type3A_88 = arith.extui %eq3A_87 : vector<256xi1> to vector<256xi32>
    %add3A_89 = arith.addi %add3A_86, %convert_element_type3A_88 : vector<256xi32>
    %eq3A_90 = arith.cmpi eq, %squeeze3A_8, %squeeze3A_8 : vector<256xi32>
    %convert_element_type3A_91 = arith.extui %eq3A_90 : vector<256xi1> to vector<256xi32>
    %add3A_92 = arith.addi %add3A_89, %convert_element_type3A_91 : vector<256xi32>
    %eq3A_93 = arith.cmpi eq, %squeeze3A_10, %squeeze3A_8 : vector<256xi32>
    %convert_element_type3A_94 = arith.extui %eq3A_93 : vector<256xi1> to vector<256xi32>
    %add3A_95 = arith.addi %add3A_92, %convert_element_type3A_94 : vector<256xi32>
    %eq3A_96 = arith.cmpi eq, %squeeze3A_12, %squeeze3A_8 : vector<256xi32>
    %convert_element_type3A_97 = arith.extui %eq3A_96 : vector<256xi1> to vector<256xi32>
    %add3A_98 = arith.addi %add3A_95, %convert_element_type3A_97 : vector<256xi32>
    %eq3A_99 = arith.cmpi eq, %squeeze3A_14, %squeeze3A_8 : vector<256xi32>
    %convert_element_type3A_100 = arith.extui %eq3A_99 : vector<256xi1> to vector<256xi32>
    %add3A_101 = arith.addi %add3A_98, %convert_element_type3A_100 : vector<256xi32>
    %mul3A_102 = arith.constant 1024 : i32
    %mul3A_103 = vector.broadcast %mul3A_102 : i32 to vector<256xi32>
    %mul3A_104 = arith.muli %add3A_101, %mul3A_103 : vector<256xi32>
    %sub3A_105 = arith.subi %mul3A_104, %squeeze3A_8 : vector<256xi32>
    %eq3A_106 = arith.cmpi eq, %squeeze3A, %squeeze3A_10 : vector<256xi32>
    %convert_element_type3A_107 = arith.extui %eq3A_106 : vector<256xi1> to vector<256xi32>
    %eq3A_108 = arith.cmpi eq, %squeeze3A_4, %squeeze3A_10 : vector<256xi32>
    %convert_element_type3A_109 = arith.extui %eq3A_108 : vector<256xi1> to vector<256xi32>
    %add3A_110 = arith.addi %convert_element_type3A_107, %convert_element_type3A_109 : vector<256xi32>
    %eq3A_111 = arith.cmpi eq, %squeeze3A_6, %squeeze3A_10 : vector<256xi32>
    %convert_element_type3A_112 = arith.extui %eq3A_111 : vector<256xi1> to vector<256xi32>
    %add3A_113 = arith.addi %add3A_110, %convert_element_type3A_112 : vector<256xi32>
    %eq3A_114 = arith.cmpi eq, %squeeze3A_8, %squeeze3A_10 : vector<256xi32>
    %convert_element_type3A_115 = arith.extui %eq3A_114 : vector<256xi1> to vector<256xi32>
    %add3A_116 = arith.addi %add3A_113, %convert_element_type3A_115 : vector<256xi32>
    %eq3A_117 = arith.cmpi eq, %squeeze3A_10, %squeeze3A_10 : vector<256xi32>
    %convert_element_type3A_118 = arith.extui %eq3A_117 : vector<256xi1> to vector<256xi32>
    %add3A_119 = arith.addi %add3A_116, %convert_element_type3A_118 : vector<256xi32>
    %eq3A_120 = arith.cmpi eq, %squeeze3A_12, %squeeze3A_10 : vector<256xi32>
    %convert_element_type3A_121 = arith.extui %eq3A_120 : vector<256xi1> to vector<256xi32>
    %add3A_122 = arith.addi %add3A_119, %convert_element_type3A_121 : vector<256xi32>
    %eq3A_123 = arith.cmpi eq, %squeeze3A_14, %squeeze3A_10 : vector<256xi32>
    %convert_element_type3A_124 = arith.extui %eq3A_123 : vector<256xi1> to vector<256xi32>
    %add3A_125 = arith.addi %add3A_122, %convert_element_type3A_124 : vector<256xi32>
    %mul3A_126 = arith.constant 1024 : i32
    %mul3A_127 = vector.broadcast %mul3A_126 : i32 to vector<256xi32>
    %mul3A_128 = arith.muli %add3A_125, %mul3A_127 : vector<256xi32>
    %sub3A_129 = arith.subi %mul3A_128, %squeeze3A_10 : vector<256xi32>
    %eq3A_130 = arith.cmpi eq, %squeeze3A, %squeeze3A_12 : vector<256xi32>
    %convert_element_type3A_131 = arith.extui %eq3A_130 : vector<256xi1> to vector<256xi32>
    %eq3A_132 = arith.cmpi eq, %squeeze3A_4, %squeeze3A_12 : vector<256xi32>
    %convert_element_type3A_133 = arith.extui %eq3A_132 : vector<256xi1> to vector<256xi32>
    %add3A_134 = arith.addi %convert_element_type3A_131, %convert_element_type3A_133 : vector<256xi32>
    %eq3A_135 = arith.cmpi eq, %squeeze3A_6, %squeeze3A_12 : vector<256xi32>
    %convert_element_type3A_136 = arith.extui %eq3A_135 : vector<256xi1> to vector<256xi32>
    %add3A_137 = arith.addi %add3A_134, %convert_element_type3A_136 : vector<256xi32>
    %eq3A_138 = arith.cmpi eq, %squeeze3A_8, %squeeze3A_12 : vector<256xi32>
    %convert_element_type3A_139 = arith.extui %eq3A_138 : vector<256xi1> to vector<256xi32>
    %add3A_140 = arith.addi %add3A_137, %convert_element_type3A_139 : vector<256xi32>
    %eq3A_141 = arith.cmpi eq, %squeeze3A_10, %squeeze3A_12 : vector<256xi32>
    %convert_element_type3A_142 = arith.extui %eq3A_141 : vector<256xi1> to vector<256xi32>
    %add3A_143 = arith.addi %add3A_140, %convert_element_type3A_142 : vector<256xi32>
    %eq3A_144 = arith.cmpi eq, %squeeze3A_12, %squeeze3A_12 : vector<256xi32>
    %convert_element_type3A_145 = arith.extui %eq3A_144 : vector<256xi1> to vector<256xi32>
    %add3A_146 = arith.addi %add3A_143, %convert_element_type3A_145 : vector<256xi32>
    %eq3A_147 = arith.cmpi eq, %squeeze3A_14, %squeeze3A_12 : vector<256xi32>
    %convert_element_type3A_148 = arith.extui %eq3A_147 : vector<256xi1> to vector<256xi32>
    %add3A_149 = arith.addi %add3A_146, %convert_element_type3A_148 : vector<256xi32>
    %mul3A_150 = arith.constant 1024 : i32
    %mul3A_151 = vector.broadcast %mul3A_150 : i32 to vector<256xi32>
    %mul3A_152 = arith.muli %add3A_149, %mul3A_151 : vector<256xi32>
    %sub3A_153 = arith.subi %mul3A_152, %squeeze3A_12 : vector<256xi32>
    %eq3A_154 = arith.cmpi eq, %squeeze3A, %squeeze3A_14 : vector<256xi32>
    %convert_element_type3A_155 = arith.extui %eq3A_154 : vector<256xi1> to vector<256xi32>
    %eq3A_156 = arith.cmpi eq, %squeeze3A_4, %squeeze3A_14 : vector<256xi32>
    %convert_element_type3A_157 = arith.extui %eq3A_156 : vector<256xi1> to vector<256xi32>
    %add3A_158 = arith.addi %convert_element_type3A_155, %convert_element_type3A_157 : vector<256xi32>
    %eq3A_159 = arith.cmpi eq, %squeeze3A_6, %squeeze3A_14 : vector<256xi32>
    %convert_element_type3A_160 = arith.extui %eq3A_159 : vector<256xi1> to vector<256xi32>
    %add3A_161 = arith.addi %add3A_158, %convert_element_type3A_160 : vector<256xi32>
    %eq3A_162 = arith.cmpi eq, %squeeze3A_8, %squeeze3A_14 : vector<256xi32>
    %convert_element_type3A_163 = arith.extui %eq3A_162 : vector<256xi1> to vector<256xi32>
    %add3A_164 = arith.addi %add3A_161, %convert_element_type3A_163 : vector<256xi32>
    %eq3A_165 = arith.cmpi eq, %squeeze3A_10, %squeeze3A_14 : vector<256xi32>
    %convert_element_type3A_166 = arith.extui %eq3A_165 : vector<256xi1> to vector<256xi32>
    %add3A_167 = arith.addi %add3A_164, %convert_element_type3A_166 : vector<256xi32>
    %eq3A_168 = arith.cmpi eq, %squeeze3A_12, %squeeze3A_14 : vector<256xi32>
    %convert_element_type3A_169 = arith.extui %eq3A_168 : vector<256xi1> to vector<256xi32>
    %add3A_170 = arith.addi %add3A_167, %convert_element_type3A_169 : vector<256xi32>
    %eq3A_171 = arith.cmpi eq, %squeeze3A_14, %squeeze3A_14 : vector<256xi32>
    %convert_element_type3A_172 = arith.extui %eq3A_171 : vector<256xi1> to vector<256xi32>
    %add3A_173 = arith.addi %add3A_170, %convert_element_type3A_172 : vector<256xi32>
    %mul3A_174 = arith.constant 1024 : i32
    %mul3A_175 = vector.broadcast %mul3A_174 : i32 to vector<256xi32>
    %mul3A_176 = arith.muli %add3A_173, %mul3A_175 : vector<256xi32>
    %sub3A_177 = arith.subi %mul3A_176, %squeeze3A_14 : vector<256xi32>
    %max3A = arith.maxsi %sub3A, %sub3A_57 : vector<256xi32>
    %max3A_178 = arith.maxsi %max3A, %sub3A_81 : vector<256xi32>
    %max3A_179 = arith.maxsi %max3A_178, %sub3A_105 : vector<256xi32>
    %max3A_180 = arith.maxsi %max3A_179, %sub3A_129 : vector<256xi32>
    %max3A_181 = arith.maxsi %max3A_180, %sub3A_153 : vector<256xi32>
    %max3A_182 = arith.maxsi %max3A_181, %sub3A_177 : vector<256xi32>
    %eq3A_183 = arith.cmpi eq, %sub3A, %max3A_182 : vector<256xi32>
    %jit3A = arith.constant 0 : i32
    %jit3A_184 = arith.constant -1 : i32
    %broadcast_in_dim3A = vector.broadcast %jit3A : i32 to vector<256xi32>
    %broadcast_in_dim3A_185 = vector.broadcast %jit3A_184 : i32 to vector<256xi32>
    %select_n3A = arith.select %eq3A_183, %broadcast_in_dim3A, %broadcast_in_dim3A_185 : vector<256xi1>, vector<256xi32>
    %eq3A_186 = arith.cmpi eq, %sub3A_57, %max3A_182 : vector<256xi32>
    %jit3A_187 = arith.constant 1 : i32
    %jit3A_188 = arith.constant -1 : i32
    %broadcast_in_dim3A_189 = vector.broadcast %jit3A_187 : i32 to vector<256xi32>
    %broadcast_in_dim3A_190 = vector.broadcast %jit3A_188 : i32 to vector<256xi32>
    %select_n3A_191 = arith.select %eq3A_186, %broadcast_in_dim3A_189, %broadcast_in_dim3A_190 : vector<256xi1>, vector<256xi32>
    %max3A_192 = arith.maxsi %select_n3A, %select_n3A_191 : vector<256xi32>
    %eq3A_193 = arith.cmpi eq, %sub3A_81, %max3A_182 : vector<256xi32>
    %jit3A_194 = arith.constant 2 : i32
    %jit3A_195 = arith.constant -1 : i32
    %broadcast_in_dim3A_196 = vector.broadcast %jit3A_194 : i32 to vector<256xi32>
    %broadcast_in_dim3A_197 = vector.broadcast %jit3A_195 : i32 to vector<256xi32>
    %select_n3A_198 = arith.select %eq3A_193, %broadcast_in_dim3A_196, %broadcast_in_dim3A_197 : vector<256xi1>, vector<256xi32>
    %max3A_199 = arith.maxsi %max3A_192, %select_n3A_198 : vector<256xi32>
    %eq3A_200 = arith.cmpi eq, %sub3A_105, %max3A_182 : vector<256xi32>
    %jit3A_201 = arith.constant 3 : i32
    %jit3A_202 = arith.constant -1 : i32
    %broadcast_in_dim3A_203 = vector.broadcast %jit3A_201 : i32 to vector<256xi32>
    %broadcast_in_dim3A_204 = vector.broadcast %jit3A_202 : i32 to vector<256xi32>
    %select_n3A_205 = arith.select %eq3A_200, %broadcast_in_dim3A_203, %broadcast_in_dim3A_204 : vector<256xi1>, vector<256xi32>
    %max3A_206 = arith.maxsi %max3A_199, %select_n3A_205 : vector<256xi32>
    %eq3A_207 = arith.cmpi eq, %sub3A_129, %max3A_182 : vector<256xi32>
    %jit3A_208 = arith.constant 4 : i32
    %jit3A_209 = arith.constant -1 : i32
    %broadcast_in_dim3A_210 = vector.broadcast %jit3A_208 : i32 to vector<256xi32>
    %broadcast_in_dim3A_211 = vector.broadcast %jit3A_209 : i32 to vector<256xi32>
    %select_n3A_212 = arith.select %eq3A_207, %broadcast_in_dim3A_210, %broadcast_in_dim3A_211 : vector<256xi1>, vector<256xi32>
    %max3A_213 = arith.maxsi %max3A_206, %select_n3A_212 : vector<256xi32>
    %eq3A_214 = arith.cmpi eq, %sub3A_153, %max3A_182 : vector<256xi32>
    %jit3A_215 = arith.constant 5 : i32
    %jit3A_216 = arith.constant -1 : i32
    %broadcast_in_dim3A_217 = vector.broadcast %jit3A_215 : i32 to vector<256xi32>
    %broadcast_in_dim3A_218 = vector.broadcast %jit3A_216 : i32 to vector<256xi32>
    %select_n3A_219 = arith.select %eq3A_214, %broadcast_in_dim3A_217, %broadcast_in_dim3A_218 : vector<256xi1>, vector<256xi32>
    %max3A_220 = arith.maxsi %max3A_213, %select_n3A_219 : vector<256xi32>
    %eq3A_221 = arith.cmpi eq, %sub3A_177, %max3A_182 : vector<256xi32>
    %jit3A_222 = arith.constant 6 : i32
    %jit3A_223 = arith.constant -1 : i32
    %broadcast_in_dim3A_224 = vector.broadcast %jit3A_222 : i32 to vector<256xi32>
    %broadcast_in_dim3A_225 = vector.broadcast %jit3A_223 : i32 to vector<256xi32>
    %select_n3A_226 = arith.select %eq3A_221, %broadcast_in_dim3A_224, %broadcast_in_dim3A_225 : vector<256xi1>, vector<256xi32>
    %max3A_227 = arith.maxsi %max3A_220, %select_n3A_226 : vector<256xi32>
    %swap3A = arith.constant 0 : index
    %swap3A_228 = vector.load %arg2[%swap3A] : memref<256xi32, #tpu.memory_space<vmem>>, vector<256xi32>
    tpu.vector_store %arg2[%swap3A], %max3A_227 {strides = array<i32>} : memref<256xi32, #tpu.memory_space<vmem>>, vector<256xi32>,
    return
  }
  func.func @transform_0(%arg0: i32) -> (i32, i32, i32) {
    %c0_i32 = arith.constant 0 : i32
    %c0_i32_0 = arith.constant 0 : i32
    %c0_i32_1 = arith.constant 0 : i32
    return %c0_i32, %c0_i32_0, %arg0 : i32, i32, i32
  }
  func.func @transform_1(%arg0: i32) -> i32 {
    %c0_i32 = arith.constant 0 : i32
    return %arg0 : i32
  }
}

</mosaic_0001>

<sc_bundles>
// kernel: kernel.4.cloned.1.call-start
scs
__scs_entry_jumppad:
0x0: {  	(pc) =	sbr.rel $0x88, $3  }
0x1: {  	(tag) =	ssettag $0x0;
	lr =	simm.s32 $0x1  }
0x2: {  	[smem:$0x3FA0] =	sst lr;
	_ =	strace $0xD0000000  }
0x3: {  	_ = 	snop  }
0x4: {  	_ = 	snop  }
0x5: {  	_ = 	snop  }
0x6: {  	_ = 	snop  }
0x7: {  	_ = 	snop  }
__scs_overlays_trampoline_lowered:
0x8: {  	[smem:$0x3FAF] =	sst s0  }
0x9: {  	[smem:$0x3FB0] =	sst s1  }
0xa: {  	[smem:$0x3FB1] =	sst s2  }
0xb: {  	[smem:$0x3FB2] =	sst s3  }
0xc: {  	[smem:$0x3FB3] =	sst s4  }
0xd: {  	[smem:$0x3FB4] =	sst s5  }
0xe: {  	[smem:$0x3FB5] =	sst s6  }
0xf: {  	[smem:$0x3FB6] =	sst s7  }
0x10: {  	[smem:$0x3FB7] =	sst s8  }
0x11: {  	[smem:$0x3FB8] =	sst s9;
	s0 =	simm.s32 @!p0 $0x0  }
0x12: {  	s1 =	sld [smem:$0x3F9E];
	s0 =	simm.s32 @p0 $0x1  }
0x13: {  	[smem:$0x3FB9] =	sst s0;
	s0 =	simm.s32 @!p1 $0x0  }
0x14: {  	s2 =	sld [smem:$0x3F9D];
	s0 =	simm.s32 @p1 $0x1  }
0x15: {  	[smem:$0x3FBA] =	sst s0;
	s0 =	simm.s32 @!p2 $0x0  }
0x16: {  	s3 =	sld [smem:$0x3FDB];
	s0 =	simm.s32 @p2 $0x1  }
0x17: {  	s4 =	simm.s32 $0x1BF5;
	[smem:$0x3FBC] =	sst s0  }
0x18: {  	s0 =	sld [smem:$0x3F9F];
	_ =	swait.ge [sflag:s4], $0x0  }
0x19: {  	s7 =	sld [smem:$0x3FA0]  }
0x1a: {  	s8 =	sadd.s32 $0xFFFFE003, lr  }
0x1b: {  	s9 =	sadd.s32 $0xFFFFFEF7, lr;
	s5 =	simm.s32 $0xFFFFFFFF;
	p2 =	slt.u32 s8, $0xFFFFF086  }
0x1c: {  	p1 =	slt.u32 s9, $0xF7A;
	s5 =	simm.s32 @!p2 $0x0  }
0x1d: {  	s5 =	simm.s32 @p1 $0x1;
	p0 =	seq.s32 s7, s2  }
0x1e: {  	s7 =	smul.u32 @!p0 $0xF7A, s2;
	p2 =	seq.s32 @!p0 s5, $0x0  }
0x1f: {  	s9 =	smul.u32 $0xF7A, s1;
	s8 =	simm.s32 @!p0 $0x1BF5;
	p2 =	por !p2, p0  }
0x20: {  	[sflag:s8] =	ssyncset.s32 @!p0 $0xFFFFF086;
	s6 =	sadd.s32 @!p0 s3, s7;
	s7 =	simm.s32 @!p0 $0x108  }
0x21: {  	s3 =	sadd.s32 s3, s9;
	s6 =	sadd.s32 @!p0 $0x88, s6;
	s7 =	simm.s32 @p2 $0x1082  }
0x22: {  	[simem:s7], [sflag:s8] =	dma.local @!p0 [hbm:s6], $0xF7A  }
0x23: {  	s9 =	sor.u32 $0xD0000000, s2;
	s6 =	simm.s32 $0x108;
	_ =	swait.ge @!p0 [sflag:s8], $0x0  }
0x24: {  	s3 =	sadd.s32 $0x88, s3;
	s6 =	simm.s32 @!p1 $0x1082;
	[sflag:s4] =	ssyncset.s32 $0xFFFFF086  }
0x25: {  	[simem:s6], [sflag:s4] =	dma.local [hbm:s3], $0xF7A  }
0x26: {  	[smem:$0x3FA0] =	sst s1;
	(tag) =	ssettag s2;
	_ =	strace s9  }
0x27: {  	s1 =	sld [smem:$0x3FB0]  }
0x28: {  	s2 =	sld [smem:$0x3FB1]  }
0x29: {  	s4 =	sld [smem:$0x3FB3]  }
0x2a: {  	p0 =	seq.s32 s5, $0x0;
	s5 =	sld [smem:$0x3FB4]  }
0x2b: {  	s6 =	sld [smem:$0x3FB5]  }
0x2c: {  	s7 =	sld [smem:$0x3FB6]  }
0x2d: {  	s3 =	simm.s32 $0x108;
	s8 =	sld [smem:$0x3FB7]  }
0x2e: {  	s3 =	simm.s32 @!p0 $0x1082;
	s9 =	sld [smem:$0x3FB8]  }
0x2f: {  	lr =	sadd.s32 s0, s3;
	s0 =	sld [smem:$0x3FAF]  }
0x30: {  	s3 =	sld [smem:$0x3FB2]  }
0x31: {  	[smem:$0x3FBB] =	sst s10  }
0x32: {  	s10 =	sld [smem:$0x3FB9];
	_ =	sdelay $0x3  }
0x33: {  	p0 =	seq.s32 s10, $0x1;
	s10 =	sld [smem:$0x3FBB];
	_ =	sdelay $0x3  }
0x34: {  	[smem:$0x3FBB] =	sst s10  }
0x35: {  	s10 =	sld [smem:$0x3FBA];
	_ =	sdelay $0x3  }
0x36: {  	p1 =	seq.s32 s10, $0x1;
	s10 =	sld [smem:$0x3FBB];
	_ =	sdelay $0x3  }
0x37: {  	[smem:$0x3FBB] =	sst s10  }
0x38: {  	s10 =	sld [smem:$0x3FBC]  }
0x39: {  	_ = 	snop;
	(pc) =	sbr.ind lr, $3  }
0x3a: {  	_ = 	snop  }
0x3b: {  	_ = 	snop  }
0x3c: {  	p2 =	seq.s32 s10, $0x1;
	s10 =	sld [smem:$0x3FBB]  }
0x3d: {  	_ =	shalt  }
0x3e: {  	_ =	shalt  }
0x3f: {  	_ =	shalt  }
0x40: {  	_ =	shalt  }
0x41: {  	_ =	shalt  }
0x42: {  	_ =	shalt  }
0x43: {  	_ =	shalt  }
0x44: {  	_ =	shalt  }
0x45: {  	_ =	shalt  }
0x46: {  	_ =	shalt  }
0x47: {  	_ =	shalt  }
0x48: {  	_ =	shalt  }
0x49: {  	_ =	shalt  }
0x4a: {  	_ =	shalt  }
0x4b: {  	_ =	shalt  }
0x4c: {  	_ =	shalt  }
0x4d: {  	_ =	shalt  }
0x4e: {  	_ =	shalt  }
0x4f: {  	_ =	shalt  }
0x50: {  	_ =	shalt  }
0x51: {  	_ =	shalt  }
0x52: {  	_ =	shalt  }
0x53: {  	_ =	shalt  }
0x54: {  	_ =	shalt  }
0x55: {  	_ =	shalt  }
0x56: {  	_ =	shalt  }
0x57: {  	_ =	shalt  }
0x58: {  	_ =	shalt  }
0x59: {  	_ =	shalt  }
0x5a: {  	_ =	shalt  }
0x5b: {  	_ =	shalt  }
0x5c: {  	_ =	shalt  }
0x5d: {  	_ =	shalt  }
0x5e: {  	_ =	shalt  }
0x5f: {  	_ =	shalt  }
0x60: {  	_ =	shalt  }
0x61: {  	_ =	shalt  }
0x62: {  	_ =	shalt  }
0x63: {  	_ =	shalt  }
0x64: {  	_ =	shalt  }
0x65: {  	_ =	shalt  }
0x66: {  	_ =	shalt  }
0x67: {  	_ =	shalt  }
0x68: {  	_ =	shalt  }
0x69: {  	_ =	shalt  }
0x6a: {  	_ =	shalt  }
0x6b: {  	_ =	shalt  }
0x6c: {  	_ =	shalt  }
0x6d: {  	_ =	shalt  }
0x6e: {  	_ =	shalt  }
0x6f: {  	_ =	shalt  }
0x70: {  	_ =	shalt  }
0x71: {  	_ =	shalt  }
0x72: {  	_ =	shalt  }
0x73: {  	_ =	shalt  }
0x74: {  	_ =	shalt  }
0x75: {  	_ =	shalt  }
0x76: {  	_ =	shalt  }
0x77: {  	_ =	shalt  }
0x78: {  	_ =	shalt  }
0x79: {  	_ =	shalt  }
0x7a: {  	_ =	shalt  }
0x7b: {  	_ =	shalt  }
0x7c: {  	_ =	shalt  }
0x7d: {  	_ =	shalt  }
0x7e: {  	_ =	shalt  }
0x7f: {  	_ =	shalt  }
0x80: {  	_ =	shalt  }
0x81: {  	_ =	shalt  }
0x82: {  	_ =	shalt  }
0x83: {  	_ =	shalt  }
0x84: {  	_ =	shalt  }
0x85: {  	_ =	shalt  }
0x86: {  	_ =	shalt  }
0x87: {  	_ =	shalt  }
.Lfunc_end0:
.L_simem_size_0:
called_computation_lowered:
.L_overlay_start_0:
0x88: {  	s2 =	sld [smem:$0x3FD9]  }
0x89: {  	s3 =	sld [smem:$0x3FFE];
	_ =	sdelay $0x1  }
0x8a: {  	s1 =	srdreg.scid  }
0x8b: {  	s0 =	sand.u32 $0x1, s1  }
0x8c: {  	s17 =	sshll.u32 s0, $0xA;
	s2 =	sadd.s32 s3, s2  }
0x8d: {  	s2 =	sadd.s32 s2, s17  }
0x8e: {  	[smem:$0x3FC7] =	sst s2  }
0x8f: {  	_ = 	snop  }
0x90: {  	s2 =	sld [smem:$0x3FC9];
	(tm) =	ssettm $0x1  }
0x91: {  	s18 =	sld [smem:$0x3FFB];
	_ =	sdelay $0x3  }
0x92: {  	_ =	strace s18  }
0x93: {  	s3 =	sld [smem:$0x3FFC];
	_ =	sdelay $0x3  }
0x94: {  	_ =	strace s3  }
0x95: {  	s3 =	sld [smem:$0x3FFD];
	_ =	sdelay $0x3  }
0x96: {  	_ =	strace s3  }
0x97: {  	_ =	strace $0x8FFFFFFF  }
0x98: {  	s19 =	sld [smem:$0x3FDB];
	_ =	sdelay $0x1  }
0x99: {  	s4 =	simm.s32 $_scs_section_size  }
0x9a: {  	s5 =	simm.s32 $_size__tile_overlayer_lowered;
	s6 =	simm.s32 $_tile_overlayer_lowered  }
0x9b: {  	s22 =	simm.s32 $0x1BFF;
	s21 =	sshll.u32 s6, $0x1;
	s3 =	sadd.s32 s4, s19  }
0x9c: {  	s7 =	simm.s32 $0x0;
	s20 =	sshll.u32 s5, $0x1;
	s5 =	sadd.s32 s21, s3  }
0x9d: {  	[timem:s7], [sflag:s22] =	dma.local [hbm:s5], s20  }
0x9e: {  	_ =	swait.ge [sflag:s22], s20  }
0x9f: {  	s4 =	ssub.s32 $0x0, s20;
	[sflag:s22] =	ssyncset.done $0x0  }
0xa0: {  	[sflag:s22] =	ssyncadd.s32 s4;
	_ =	sdelay $0x1  }
0xa1: {  	s23 =	simm.s32 $0x1B8B  }
0xa2: {  	_ =	swait.ge [sflag:s23], $0x1  }
0xa3: {  	[sflag:s23] =	ssyncset.done $0x0  }
0xa4: {  	s25 =	simm.s32 $0x1B8E;
	s24 =	sld [smem:$0x3FFE];
	[sflag:s23] =	ssyncadd.s32 $0xFFFFFFFF  }
0xa5: {  	s26 =	simm.s32 $execute0_lowered;
	[smem:$0x3FD2] =	sst s25  }
0xa6: {  	s5 =	sshll.u32 s26, $0x1;
	_ =	strace $0x80000046;
	[dreg:$0x1] =	wrdreg $0xFFFFFFFF  }
0xa7: {  	s28 =	simm.s32 $_size_execute0_lowered;
	s3 =	sadd.s32 s3, s5;
	[dreg:$0x0] =	wrdreg $0x0  }
0xa8: {  	s5 =	sshll.u32 s28, $0x1;
	[dreg:$0x2] =	wrdreg s3  }
0xa9: {  	[dreg:$0x3] =	wrdreg s5  }
0xaa: {  	[dreg:$0x4] =	wrdreg $0xC0  }
0xab: {  	_ =	task [dreg:s7], $0x5FFFF  }
0xac: {  	[dreg:$0x1] =	wrdreg $0xFFFFFFFF  }
0xad: {  	[dreg:$0x0] =	wrdreg $0x60  }
0xae: {  	[dreg:$0x2] =	wrdreg s2  }
0xaf: {  	[dreg:$0x3] =	wrdreg s24  }
0xb0: {  	[dreg:$0x4] =	wrdreg $0x0  }
0xb1: {  	[dreg:$0x5] =	wrdreg $0x9  }
0xb2: {  	_ =	task.clear_ibuf [dreg:s7], $0x6FFFF;
	_ =	strace $0x90000046  }
0xb3: {  	s29 =	simm.s32 $0x9;
	_ =	strace $0x80000048  }
0xb4: {  	_ =	swait.ge [sflag:s29], $0x1  }
0xb5: {  	[sflag:s29] =	ssyncadd.s32 $0xFFFFFFFF  }
0xb6: {  	_ =	strace $0x90000048  }
0xb7: {  	_ =	sfence  }
0xb8: {  	s30 =	sld [smem:$0x0];
	_ =	sdelay $0x2  }
0xb9: {  	s31 =	sshll.u32 s1, $0xD;
	s1 =	sshrl.u32 s1, $0x2  }
0xba: {  	s3 =	sand.u32 $0x4000, s31;
	s1 =	sadd.s32 s1, s30  }
0xbb: {  	s0 =	sor.u32 s3, s0;
	s1 =	sshll.u32 s1, $0x11  }
0xbc: {  	s0 =	sor.u32 s1, s0  }
0xbd: {  	s0 =	sadd.s32 $0x8F2B, s0  }
0xbe: {  	[sflag:s0] =	ssyncadd.remote.s32 $0x1  }
0xbf: {  	_ =	sfence.sel $0xFFFF  }
0xc0: {  	[dreg:$0x0] =	wrdreg $0xFFFFFFFF;
	(pc) =	sbr.abs _section_cstart, $3  }
0xc1: {  	[dreg:$0x1] =	wrdreg $0xFFFFFFFF  }
0xc2: {  	_ =	task.clear_ibuf [dreg:s7], $0x2FFFF;
	_ =	strace $0x9FFFFFFF  }
0xc3: {  	(tm) =	ssettm $0x7FFFFFFF  }
tec
execute0_lowered:
.L_overlay_start_1:
0x0: {  	(tag) =	ssettag $0x1  }
0x1: {  	s4 =	rddreg [dreg:$0x0]  }
0x2: {  	s5 =	rddreg [dreg:$0x1]  }
0x3: {  	s2 =	rddreg [dreg:$0x2]  }
0x4: {  	s0 =	stileid.u32;
	s1 =	rddreg [dreg:$0x3]  }
0x5: {  	s3 =	simm.s32 $0x0;
	s7 =	srdreg.scid;
	s15 =	simm.s32 $0x2  }
0x6: {  	s16 =	simm.s32 $0x1F470;
	s17 =	simm.s32 $0x1FCF0;
	s18 =	simm.s32 $0x0  }
0x7: {  	s6 =	smul.u32 $0x25, s0;
	[smem:$0x7FF] =	sst s3;
	s7 =	sand.u32 $0x1, s7  }
0x8: {  	s9 =	sshll.u32 s0, $0x4;
	s28 =	sshll.u32 s0, $0x7;
	p0 =	sgt.u32 s0, $0xD  }
0x9: {  	s8 =	sshll.u32 s7, $0x8;
	_ =	strace $0x80000047;
	s7 =	ssub.s32 $0x2, s7  }
0xa: {  	s6 =	sshrl.u32 s6, $0x8;
	s11 =	sor.u32 s9, s8;
	s26 =	sshrl.u32 s7, $0x1  }
0xb: {  	s4 =	sadd.s32 s8, s4;
	s10 =	smul.u32 $0x7, s6;
	s11 =	sshrl.u32 s11, $0x3  }
0xc: {  	s12 =	sshll.u32 s6, $0x7;
	s14 =	ssub.s32 s7, s26;
	s30 =	sshll.u32 s6, $0xA  }
0xd: {  	s11 =	sadd.s32 s11, s5;
	s4 =	sadd.s32 s12, s4;
	s5 =	sor.u32 s9, s28  }
0xe: {  	s6 =	sadd.s32 s30, s2;
	s9 =	smax.u32 s14, $0x1;
	s10 =	ssub.s32 s0, s10  }
.Ltmp0:
0xf: {  	s12 =	simm.s32 $0x70;
	s10 =	sand.u32 $0xFF, s10;
	(pc) =	sbr.rel .LBB2_1-.Ltmp0, $4  }
0x10: {  	s14 =	simm.s32 $0x1FC70;
	s8 =	sadd.s32 $0x400, s11;
	s13 =	smul.u32 $0x7D000, s10  }
0x11: {  	s11 =	simm.s32 $0x8000;
	s31 =	sshll.u32 s10, $0x7;
	s10 =	simm.s32 $0x400  }
0x12: {  	v0 =	vimm.s32 $0x1;
	s6 =	sadd.s32 s31, s6;
	s29 =	sadd.s32 s13, s4;
	s4 =	sand.u32 $0x470, s5  }
0x13: {  	v1 =	vimm.s32 $0x0;
	v2 =	vimm.s32 $0xFFFFFFFF;
	v3 =	vimm.s32 $0x6;
	s13 =	simm.s32 $0x1;
	s5 =	sadd.s32 $0xE00, s29;
	s7 =	sadd.s32 $0x1F470, s4  }
.LBB2_18:
0x14: {  	vm0 =	vgt.f32 v4, v8  }
0x15: {  	v9 =	vld [tilespmem:s21+$0xFFFFFF80];
	v4 =	vsel vm0, v4, v8  }
0x16: {  	vm1 =	vgt.f32 v5, v4  }
0x17: {  	v62 =	vld [tilespmem:s21+$0x0];
	v4 =	vsel vm1, v5, v4  }
0x18: {  	vm2 =	vgt.f32 v6, v4  }
0x19: {  	s22 =	sadd.s32 $0xFFFFFFFF, s20;
	v5 =	vld [tilespmem:s21+$0x80];
	v4 =	vsel vm2, v6, v4  }
0x1a: {  	v63 =	vsel vm0, s22, v7;
	vm13 =	vgt.f32 v9, v4  }
0x1b: {  	s29 =	sadd.s32 $0xFFFFFFFD, s19;
	v6 =	vsel vm1, s20, v63;
	v4 =	vsel vm13, v9, v4  }
0x1c: {  	s30 =	sadd.s32 $0xFFFFFFFE, s19;
	v6 =	vsel vm2, s29, v6;
	vm14 =	vgt.f32 v62, v4  }
0x1d: {  	s31 =	sadd.s32 $0xFFFFFFFF, s19;
	v6 =	vsel vm13, s30, v6;
	v4 =	vsel vm14, v62, v4  }
0x1e: {  	v6 =	vsel vm14, s31, v6;
	vm15 =	vgt.f32 v5, v4  }
0x1f: {  	v4 =	vsel vm15, s19, v6  }
0x20: {  	[tilespmem:$0x1FCE0] =	vst v4  }
0x21: {  	[spmem:s6] =	stream.linear.scatter [tilespmem:s14], [sflag:$0x2], $0x80, $0x38;
	[tilespmem:$0x1FD70] =	vst v63  }
0x22: {  	_ =	swait.ge [sflag:s15], $0x80  }
0x23: {  	[sflag:s15] =	ssyncset.done $0x0  }
0x24: {  	[sflag:s15] =	ssyncadd.s32 $0xFFFFFF80  }
.LBB2_19:
0x25: {  	[bflag:$0x0] =	sbarrier.arrive $0xFFFF  }
0x26: {  	[tilespmem:s16], [sflag:$0x2] =	stream.linear.gather [spmem:s2], $0x800, $0x38;
	[tilespmem:$0x1FD70] =	vst v63  }
0x27: {  	_ =	swait.ge [sflag:s15], $0x800  }
0x28: {  	[sflag:s15] =	ssyncset.done $0x0  }
0x29: {  	[sflag:s15] =	ssyncadd.s32 $0xFFFFF800  }
0x2a: {  	v4 =	vld [tilespmem:s4+$0x1F470]  }
0x2b: {  	v5 =	vld [tilespmem:s7+$0x80]  }
0x2c: {  	v6 =	vld [tilespmem:s7+$0x100]  }
0x2d: {  	v7 =	vld [tilespmem:s7+$0x180]  }
0x2e: {  	v8 =	vld [tilespmem:s7+$0x200]  }
0x2f: {  	v9 =	vld [tilespmem:s7+$0x280]  }
0x30: {  	v10 =	vld [tilespmem:s7+$0x300];
	_ =	sdelay $0x2  }
0x31: {  	vm0 =	veq.s32 v5, v4  }
0x32: {  	vm1 =	veq.s32 v6, v4;
	vm15 =	veq.s32 v7, v4;
	vm4 =	veq.s32 v8, v4  }
0x33: {  	vm5 =	veq.s32 v9, v4;
	vm6 =	veq.s32 v10, v4;
	vm7 =	veq.s32 v6, v5  }
0x34: {  	vm8 =	veq.s32 v7, v5;
	vm9 =	veq.s32 v8, v5;
	vm10 =	veq.s32 v9, v5  }
0x35: {  	vm11 =	veq.s32 v10, v5;
	vm12 =	veq.s32 v7, v6;
	vm13 =	veq.s32 v8, v6  }
0x36: {  	vm14 =	veq.s32 v9, v6;
	vm2 =	veq.s32 v10, v6;
	vm3 =	veq.s32 v9, v7  }
0x37: {  	v11 =	vsel vm0, $0x2, v0;
	v12 =	vsel vm1, $0x1, v1;
	v14 =	vsel vm15, $0x1, v1  }
0x38: {  	v15 =	vsel vm4, $0x1, v1;
	v16 =	vsel vm5, $0x1, v1;
	v17 =	vsel vm6, $0x1, v1  }
0x39: {  	v18 =	vsel vm7, $0x1, v1;
	v19 =	vsel vm8, $0x1, v1;
	v20 =	vsel vm9, $0x1, v1  }
0x3a: {  	v21 =	vsel vm10, $0x1, v1;
	v22 =	vsel vm11, $0x1, v1;
	v47 =	vsel vm13, $0x1, v1  }
0x3b: {  	v48 =	vsel vm12, $0x2, v0;
	v23 =	vsel vm14, $0x1, v1;
	v24 =	vsel vm2, $0x1, v1  }
0x3c: {  	vm15 =	veq.s32 v8, v7;
	v50 =	vsel vm3, $0x1, v1;
	vm5 =	veq.s32 v10, v7  }
0x3d: {  	v51 =	vsel vm13, $0x2, v0;
	vm6 =	veq.s32 v9, v8;
	vm7 =	veq.s32 v10, v8  }
0x3e: {  	vm8 =	veq.s32 v10, v9;
	v56 =	vsel vm14, $0x2, v0;
	v13 =	vadd.s32 v12, v11  }
0x3f: {  	v11 =	vadd.s32 v18, v11;
	v18 =	vadd.s32 v18, v48;
	v49 =	vsel vm15, $0x1, v1  }
0x40: {  	v52 =	vsel vm5, $0x1, v1;
	v53 =	vadd.s32 v20, v51;
	v13 =	vadd.s32 v14, v13  }
0x41: {  	v54 =	vsel vm6, $0x1, v1;
	v11 =	vadd.s32 v19, v11;
	v13 =	vadd.s32 v15, v13  }
0x42: {  	v55 =	vsel vm7, $0x1, v1;
	v11 =	vadd.s32 v20, v11;
	v13 =	vadd.s32 v16, v13  }
0x43: {  	v57 =	vsel vm8, $0x1, v1;
	v11 =	vadd.s32 v21, v11;
	v13 =	vadd.s32 v17, v13  }
0x44: {  	v59 =	vadd.s32 v22, v17;
	v11 =	vadd.s32 v22, v11;
	v13 =	vshll.u32 v13, $0xA  }
0x45: {  	v12 =	vadd.s32 v12, v18;
	v11 =	vshll.u32 v11, $0xA;
	v4 =	vsub.s32 v13, v4  }
0x46: {  	v5 =	vsub.s32 v11, v5;
	v11 =	vadd.s32 v47, v12;
	v13 =	vadd.s32 v19, v48  }
0x47: {  	v11 =	vadd.s32 v23, v11;
	v13 =	vadd.s32 v14, v13;
	v14 =	vadd.s32 v15, v53  }
0x48: {  	vm9 =	vgt.s32 v4, v5;
	v13 =	vadd.s32 v49, v13;
	v12 =	vadd.s32 v49, v14  }
0x49: {  	v11 =	vadd.s32 v24, v11;
	v58 =	vsel vm9, v4, v5;
	v13 =	vadd.s32 v50, v13  }
0x4a: {  	v12 =	vadd.s32 v54, v12;
	v11 =	vshll.u32 v11, $0xA;
	v13 =	vadd.s32 v52, v13  }
0x4b: {  	v12 =	vadd.s32 v55, v12;
	v6 =	vsub.s32 v11, v6;
	v11 =	vadd.s32 v21, v56  }
0x4c: {  	v13 =	vshll.u32 v13, $0xA;
	v12 =	vshll.u32 v12, $0xA;
	v11 =	vadd.s32 v16, v11  }
0x4d: {  	vm0 =	vgt.s32 v58, v6;
	v16 =	vadd.s32 v24, v59;
	v7 =	vsub.s32 v13, v7  }
0x4e: {  	v8 =	vsub.s32 v12, v8;
	v11 =	vadd.s32 v50, v11;
	v13 =	vsel vm0, v58, v6  }
0x4f: {  	v60 =	vadd.s32 v52, v16;
	v11 =	vadd.s32 v54, v11;
	vm0 =	vgt.s32 v13, v7  }
0x50: {  	v14 =	vadd.s32 v55, v60;
	v11 =	vadd.s32 v57, v11;
	v13 =	vsel vm0, v13, v7  }
0x51: {  	v12 =	vadd.s32 v57, v14;
	v11 =	vshll.u32 v11, $0xA;
	vm0 =	vgt.s32 v13, v8  }
0x52: {  	v61 =	vshll.u32 v12, $0xA;
	v9 =	vsub.s32 v11, v9;
	v62 =	vsel vm0, v13, v8  }
0x53: {  	v10 =	vsub.s32 v61, v10;
	vm0 =	vgt.s32 v62, v9  }
0x54: {  	v10 =	vadd.s32 $0x400, v10;
	v63 =	vsel vm0, v62, v9  }
0x55: {  	vm0 =	vgt.s32 v63, v10  }
0x56: {  	v12 =	vsel vm0, v63, v10  }
0x57: {  	vm0 =	vne.s32 v4, v12  }
0x58: {  	vm10 =	veq.s32 v5, v12;
	v4 =	vsel vm0, $0xFFFFFFFF, v1  }
0x59: {  	vm11 =	veq.s32 v6, v12;
	v4 =	vsel vm10, $0x1, v4  }
0x5a: {  	vm12 =	veq.s32 v7, v12;
	v4 =	vsel vm11, $0x2, v4  }
0x5b: {  	vm13 =	veq.s32 v8, v12;
	vm14 =	veq.s32 v9, v12;
	v4 =	vsel vm12, $0x3, v4  }
0x5c: {  	v5 =	vsel vm14, $0x5, v2;
	v4 =	vsel vm13, $0x4, v4  }
0x5d: {  	vm15 =	vlt.s32 v10, v63;
	vm0 =	vgt.s32 v4, v5  }
0x5e: {  	v4 =	vsel vm0, v4, v5;
	v5 =	vsel vm15, $0xFFFFFFFF, v3  }
0x5f: {  	s18 =	sadd.s32 $0x1, s18;
	vm0 =	vgt.s32 v4, v5  }
0x60: {  	p1 =	sne.s32 s18, s9;
	v4 =	vsel vm0, v4, v5  }
.Ltmp1:
0x61: {  	[tilespmem:$0x1FCF0] =	vst v4;
	(pc) =	sbr.rel @!p1 .LBB2_20-.Ltmp1, $4  }
0x62: {  	[hbm4b:s8+s3] =	stream.linear.scatter [tilespmem:s17], [sflag:$0x2], $0x10, $0x38;
	[tilespmem:$0x1FD70] =	vst v63  }
0x63: {  	_ =	swait.ge [sflag:s15], $0x10  }
0x64: {  	[sflag:s15] =	ssyncset.done $0x0  }
0x65: {  	[sflag:s15] =	ssyncadd.s32 $0xFFFFFFF0  }
.LBB2_1:
.Ltmp2:
0x66: {  	(pc) =	sbr.rel @p0 .LBB2_19-.Ltmp2, $1  }
0x67: {  	_ =	sdelay $0x3  }
0x68: {  	[tilespmem:s12], [sflag:$0x1] =	stream.strided.gather [hbm4b:s5+s10], $0x1F400, s11, s10, $0x38;
	[tilespmem:$0x1FD70] =	vst v63  }
0x69: {  	_ =	swait.ge [sflag:s13], $0x1F400  }
0x6a: {  	[sflag:s13] =	ssyncset.done $0x0  }
0x6b: {  	s19 =	simm.s32 $0x170;
	[sflag:s13] =	ssyncadd.s32 $0xFFFE0C00  }
0x6c: {  	v5 =	vld [tilespmem:s19+$0xFFFFFF00];
	_ =	sdelay $0x1  }
0x6d: {  	v8 =	vld [tilespmem:s19+$0xFFFFFF80];
	_ =	sdelay $0x1  }
0x6e: {  	v6 =	vimm.f32 $-Inf;
	v4 =	vld [tilespmem:s19+$0x0]  }
0x6f: {  	vm0 =	vgt.f32 v5, v6  }
0x70: {  	v7 =	vimm.s32 $0x0;
	s20 =	simm.s32 $0x0;
	v9 =	vsel vm0, v5, v6;
	v5 =	vld [tilespmem:s19+$0x80]  }
0x71: {  	s23 =	simm.s32 $0x1;
	s21 =	simm.s32 $0x370;
	v7 =	vsel vm0, s20, v7;
	vm15 =	vgt.f32 v8, v9  }
0x72: {  	s22 =	simm.s32 $0xB;
	s20 =	simm.s32 $0x3;
	s19 =	simm.s32 $0x7;
	v6 =	vld [tilespmem:s21+$0xFFFFFF00];
	v7 =	vsel vm15, s23, v7;
	v8 =	vsel vm15, v8, v9  }
.LBB2_3:
0x73: {  	p1 =	sne.s32 s22, $0x3E7;
	s23 =	sadd.s32 $0xFFFFFFFF, s20;
	vm0 =	vgt.f32 v4, v8  }
0x74: {  	v9 =	vld [tilespmem:s21+$0xFFFFFF80];
	v7 =	vsel vm0, s23, v7;
	v8 =	vsel vm0, v4, v8  }
0x75: {  	vm0 =	vgt.f32 v5, v8  }
.Ltmp3:
0x76: {  	v4 =	vld [tilespmem:s21+$0x0];
	v7 =	vsel vm0, s20, v7;
	v5 =	vsel vm0, v5, v8;
	s20 =	smov.u32 s19;
	s19 =	smov.u32 s22;
	(pc) =	sbr.rel @p1 .LBB2_3-.Ltmp3, $4  }
0x77: {  	s23 =	sadd.s32 $0xFFFFFFFD, s20;
	vm0 =	vgt.f32 v6, v5  }
0x78: {  	v7 =	vsel vm0, s23, v7;
	v8 =	vsel vm0, v6, v5;
	v5 =	vld [tilespmem:s21+$0x80]  }
0x79: {  	s23 =	sadd.s32 $0xFFFFFFFE, s20;
	s21 =	sadd.s32 $0x200, s21;
	vm0 =	vgt.f32 v9, v8  }
0x7a: {  	s22 =	sadd.s32 $0x4, s22;
	v6 =	vld [tilespmem:s21+$0xFFFFFF00];
	v7 =	vsel vm0, s23, v7;
	v8 =	vsel vm0, v9, v8  }
0x7b: {  	vm0 =	vgt.f32 v4, v8  }
0x7c: {  	v9 =	vld [tilespmem:s21+$0xFFFFFF80];
	v4 =	vsel vm0, v4, v8  }
0x7d: {  	vm1 =	vgt.f32 v5, v4  }
0x7e: {  	v8 =	vld [tilespmem:s21+$0x0];
	v4 =	vsel vm1, v5, v4  }
0x7f: {  	vm2 =	vgt.f32 v6, v4  }
0x80: {  	s22 =	sadd.s32 $0xFFFFFFFF, s20;
	v5 =	vld [tilespmem:s21+$0x80];
	v4 =	vsel vm2, v6, v4  }
0x81: {  	v6 =	vsel vm0, s22, v7;
	vm11 =	vgt.f32 v9, v4  }
0x82: {  	s26 =	sadd.s32 $0xFFFFFFFD, s19;
	v6 =	vsel vm1, s20, v6;
	v4 =	vsel vm11, v9, v4  }
0x83: {  	s28 =	sadd.s32 $0xFFFFFFFE, s19;
	v6 =	vsel vm2, s26, v6;
	vm12 =	vgt.f32 v8, v4  }
0x84: {  	s29 =	sadd.s32 $0xFFFFFFFF, s19;
	v6 =	vsel vm11, s28, v6;
	v4 =	vsel vm12, v8, v4  }
0x85: {  	v6 =	vsel vm12, s29, v6;
	vm13 =	vgt.f32 v5, v4  }
0x86: {  	v4 =	vsel vm13, s19, v6  }
0x87: {  	s30 =	simm.s32 $0x180;
	[tilespmem:$0x1FC70] =	vst v4  }
0x88: {  	v5 =	vld [tilespmem:s30+$0xFFFFFF00];
	_ =	sdelay $0x1  }
0x89: {  	v8 =	vld [tilespmem:s30+$0xFFFFFF80];
	_ =	sdelay $0x1  }
0x8a: {  	v6 =	vimm.f32 $-Inf;
	v4 =	vld [tilespmem:s30+$0x0]  }
0x8b: {  	vm14 =	vgt.f32 v5, v6  }
0x8c: {  	s31 =	simm.s32 $0x0;
	v7 =	vimm.s32 $0x0;
	v9 =	vsel vm14, v5, v6;
	v5 =	vld [tilespmem:s30+$0x80]  }
0x8d: {  	s23 =	simm.s32 $0x1;
	s21 =	simm.s32 $0x380;
	v7 =	vsel vm14, s31, v7;
	vm15 =	vgt.f32 v8, v9  }
0x8e: {  	s22 =	simm.s32 $0xB;
	s20 =	simm.s32 $0x3;
	s19 =	simm.s32 $0x7;
	v6 =	vld [tilespmem:s21+$0xFFFFFF00];
	v7 =	vsel vm15, s23, v7;
	v8 =	vsel vm15, v8, v9  }
.LBB2_5:
0x8f: {  	p1 =	sne.s32 s22, $0x3E7;
	s23 =	sadd.s32 $0xFFFFFFFF, s20;
	vm0 =	vgt.f32 v4, v8  }
0x90: {  	v9 =	vld [tilespmem:s21+$0xFFFFFF80];
	v7 =	vsel vm0, s23, v7;
	v8 =	vsel vm0, v4, v8  }
0x91: {  	vm0 =	vgt.f32 v5, v8  }
.Ltmp4:
0x92: {  	v4 =	vld [tilespmem:s21+$0x0];
	v7 =	vsel vm0, s20, v7;
	v5 =	vsel vm0, v5, v8;
	s20 =	smov.u32 s19;
	s19 =	smov.u32 s22;
	(pc) =	sbr.rel @p1 .LBB2_5-.Ltmp4, $4  }
0x93: {  	s23 =	sadd.s32 $0xFFFFFFFD, s20;
	vm0 =	vgt.f32 v6, v5  }
0x94: {  	v7 =	vsel vm0, s23, v7;
	v8 =	vsel vm0, v6, v5;
	v5 =	vld [tilespmem:s21+$0x80]  }
0x95: {  	s23 =	sadd.s32 $0xFFFFFFFE, s20;
	s21 =	sadd.s32 $0x200, s21;
	vm0 =	vgt.f32 v9, v8  }
0x96: {  	s22 =	sadd.s32 $0x4, s22;
	v6 =	vld [tilespmem:s21+$0xFFFFFF00];
	v7 =	vsel vm0, s23, v7;
	v8 =	vsel vm0, v9, v8  }
0x97: {  	vm0 =	vgt.f32 v4, v8  }
0x98: {  	v9 =	vld [tilespmem:s21+$0xFFFFFF80];
	v4 =	vsel vm0, v4, v8  }
0x99: {  	vm1 =	vgt.f32 v5, v4  }
0x9a: {  	v8 =	vld [tilespmem:s21+$0x0];
	v4 =	vsel vm1, v5, v4  }
0x9b: {  	vm2 =	vgt.f32 v6, v4  }
0x9c: {  	s22 =	sadd.s32 $0xFFFFFFFF, s20;
	v5 =	vld [tilespmem:s21+$0x80];
	v4 =	vsel vm2, v6, v4  }
0x9d: {  	v6 =	vsel vm0, s22, v7;
	vm11 =	vgt.f32 v9, v4  }
0x9e: {  	s26 =	sadd.s32 $0xFFFFFFFD, s19;
	v6 =	vsel vm1, s20, v6;
	v4 =	vsel vm11, v9, v4  }
0x9f: {  	s28 =	sadd.s32 $0xFFFFFFFE, s19;
	v6 =	vsel vm2, s26, v6;
	vm12 =	vgt.f32 v8, v4  }
0xa0: {  	s29 =	sadd.s32 $0xFFFFFFFF, s19;
	v6 =	vsel vm11, s28, v6;
	v4 =	vsel vm12, v8, v4  }
0xa1: {  	v6 =	vsel vm12, s29, v6;
	vm13 =	vgt.f32 v5, v4  }
0xa2: {  	v4 =	vsel vm13, s19, v6  }
0xa3: {  	s30 =	simm.s32 $0x190;
	[tilespmem:$0x1FC80] =	vst v4  }
0xa4: {  	v5 =	vld [tilespmem:s30+$0xFFFFFF00];
	_ =	sdelay $0x1  }
0xa5: {  	v8 =	vld [tilespmem:s30+$0xFFFFFF80];
	_ =	sdelay $0x1  }
0xa6: {  	v6 =	vimm.f32 $-Inf;
	v4 =	vld [tilespmem:s30+$0x0]  }
0xa7: {  	vm14 =	vgt.f32 v5, v6  }
0xa8: {  	s31 =	simm.s32 $0x0;
	v7 =	vimm.s32 $0x0;
	v9 =	vsel vm14, v5, v6;
	v5 =	vld [tilespmem:s30+$0x80]  }
0xa9: {  	s23 =	simm.s32 $0x1;
	s21 =	simm.s32 $0x390;
	v7 =	vsel vm14, s31, v7;
	vm15 =	vgt.f32 v8, v9  }
0xaa: {  	s22 =	simm.s32 $0xB;
	s20 =	simm.s32 $0x3;
	s19 =	simm.s32 $0x7;
	v6 =	vld [tilespmem:s21+$0xFFFFFF00];
	v7 =	vsel vm15, s23, v7;
	v8 =	vsel vm15, v8, v9  }
.LBB2_7:
0xab: {  	p1 =	sne.s32 s22, $0x3E7;
	s23 =	sadd.s32 $0xFFFFFFFF, s20;
	vm0 =	vgt.f32 v4, v8  }
0xac: {  	v9 =	vld [tilespmem:s21+$0xFFFFFF80];
	v7 =	vsel vm0, s23, v7;
	v8 =	vsel vm0, v4, v8  }
0xad: {  	vm0 =	vgt.f32 v5, v8  }
.Ltmp5:
0xae: {  	v4 =	vld [tilespmem:s21+$0x0];
	v7 =	vsel vm0, s20, v7;
	v5 =	vsel vm0, v5, v8;
	s20 =	smov.u32 s19;
	s19 =	smov.u32 s22;
	(pc) =	sbr.rel @p1 .LBB2_7-.Ltmp5, $4  }
0xaf: {  	s23 =	sadd.s32 $0xFFFFFFFD, s20;
	vm0 =	vgt.f32 v6, v5  }
0xb0: {  	v7 =	vsel vm0, s23, v7;
	v8 =	vsel vm0, v6, v5;
	v5 =	vld [tilespmem:s21+$0x80]  }
0xb1: {  	s23 =	sadd.s32 $0xFFFFFFFE, s20;
	s21 =	sadd.s32 $0x200, s21;
	vm0 =	vgt.f32 v9, v8  }
0xb2: {  	s22 =	sadd.s32 $0x4, s22;
	v6 =	vld [tilespmem:s21+$0xFFFFFF00];
	v7 =	vsel vm0, s23, v7;
	v8 =	vsel vm0, v9, v8  }
0xb3: {  	vm0 =	vgt.f32 v4, v8  }
0xb4: {  	v9 =	vld [tilespmem:s21+$0xFFFFFF80];
	v4 =	vsel vm0, v4, v8  }
0xb5: {  	vm1 =	vgt.f32 v5, v4  }
0xb6: {  	v8 =	vld [tilespmem:s21+$0x0];
	v4 =	vsel vm1, v5, v4  }
0xb7: {  	vm2 =	vgt.f32 v6, v4  }
0xb8: {  	s22 =	sadd.s32 $0xFFFFFFFF, s20;
	v5 =	vld [tilespmem:s21+$0x80];
	v4 =	vsel vm2, v6, v4  }
0xb9: {  	v6 =	vsel vm0, s22, v7;
	vm11 =	vgt.f32 v9, v4  }
0xba: {  	s26 =	sadd.s32 $0xFFFFFFFD, s19;
	v6 =	vsel vm1, s20, v6;
	v4 =	vsel vm11, v9, v4  }
0xbb: {  	s28 =	sadd.s32 $0xFFFFFFFE, s19;
	v6 =	vsel vm2, s26, v6;
	vm12 =	vgt.f32 v8, v4  }
0xbc: {  	s29 =	sadd.s32 $0xFFFFFFFF, s19;
	v6 =	vsel vm11, s28, v6;
	v4 =	vsel vm12, v8, v4  }
0xbd: {  	v6 =	vsel vm12, s29, v6;
	vm13 =	vgt.f32 v5, v4  }
0xbe: {  	v4 =	vsel vm13, s19, v6  }
0xbf: {  	s30 =	simm.s32 $0x1A0;
	[tilespmem:$0x1FC90] =	vst v4  }
0xc0: {  	v5 =	vld [tilespmem:s30+$0xFFFFFF00];
	_ =	sdelay $0x1  }
0xc1: {  	v8 =	vld [tilespmem:s30+$0xFFFFFF80];
	_ =	sdelay $0x1  }
0xc2: {  	v6 =	vimm.f32 $-Inf;
	v4 =	vld [tilespmem:s30+$0x0]  }
0xc3: {  	vm14 =	vgt.f32 v5, v6  }
0xc4: {  	s31 =	simm.s32 $0x0;
	v7 =	vimm.s32 $0x0;
	v9 =	vsel vm14, v5, v6;
	v5 =	vld [tilespmem:s30+$0x80]  }
0xc5: {  	s23 =	simm.s32 $0x1;
	s21 =	simm.s32 $0x3A0;
	v7 =	vsel vm14, s31, v7;
	vm15 =	vgt.f32 v8, v9  }
0xc6: {  	s22 =	simm.s32 $0xB;
	s20 =	simm.s32 $0x3;
	s19 =	simm.s32 $0x7;
	v6 =	vld [tilespmem:s21+$0xFFFFFF00];
	v7 =	vsel vm15, s23, v7;
	v8 =	vsel vm15, v8, v9  }
.LBB2_9:
0xc7: {  	p1 =	sne.s32 s22, $0x3E7;
	s23 =	sadd.s32 $0xFFFFFFFF, s20;
	vm0 =	vgt.f32 v4, v8  }
0xc8: {  	v9 =	vld [tilespmem:s21+$0xFFFFFF80];
	v7 =	vsel vm0, s23, v7;
	v8 =	vsel vm0, v4, v8  }
0xc9: {  	vm0 =	vgt.f32 v5, v8  }
.Ltmp6:
0xca: {  	v4 =	vld [tilespmem:s21+$0x0];
	v7 =	vsel vm0, s20, v7;
	v5 =	vsel vm0, v5, v8;
	s20 =	smov.u32 s19;
	s19 =	smov.u32 s22;
	(pc) =	sbr.rel @p1 .LBB2_9-.Ltmp6, $4  }
0xcb: {  	s23 =	sadd.s32 $0xFFFFFFFD, s20;
	vm0 =	vgt.f32 v6, v5  }
0xcc: {  	v7 =	vsel vm0, s23, v7;
	v8 =	vsel vm0, v6, v5;
	v5 =	vld [tilespmem:s21+$0x80]  }
0xcd: {  	s23 =	sadd.s32 $0xFFFFFFFE, s20;
	s21 =	sadd.s32 $0x200, s21;
	vm0 =	vgt.f32 v9, v8  }
0xce: {  	s22 =	sadd.s32 $0x4, s22;
	v6 =	vld [tilespmem:s21+$0xFFFFFF00];
	v7 =	vsel vm0, s23, v7;
	v8 =	vsel vm0, v9, v8  }
0xcf: {  	vm0 =	vgt.f32 v4, v8  }
0xd0: {  	v9 =	vld [tilespmem:s21+$0xFFFFFF80];
	v4 =	vsel vm0, v4, v8  }
0xd1: {  	vm1 =	vgt.f32 v5, v4  }
0xd2: {  	v8 =	vld [tilespmem:s21+$0x0];
	v4 =	vsel vm1, v5, v4  }
0xd3: {  	vm2 =	vgt.f32 v6, v4  }
0xd4: {  	s22 =	sadd.s32 $0xFFFFFFFF, s20;
	v5 =	vld [tilespmem:s21+$0x80];
	v4 =	vsel vm2, v6, v4  }
0xd5: {  	v6 =	vsel vm0, s22, v7;
	vm11 =	vgt.f32 v9, v4  }
0xd6: {  	s26 =	sadd.s32 $0xFFFFFFFD, s19;
	v6 =	vsel vm1, s20, v6;
	v4 =	vsel vm11, v9, v4  }
0xd7: {  	s28 =	sadd.s32 $0xFFFFFFFE, s19;
	v6 =	vsel vm2, s26, v6;
	vm12 =	vgt.f32 v8, v4  }
0xd8: {  	s29 =	sadd.s32 $0xFFFFFFFF, s19;
	v6 =	vsel vm11, s28, v6;
	v4 =	vsel vm12, v8, v4  }
0xd9: {  	v6 =	vsel vm12, s29, v6;
	vm13 =	vgt.f32 v5, v4  }
0xda: {  	v4 =	vsel vm13, s19, v6  }
0xdb: {  	s30 =	simm.s32 $0x1B0;
	[tilespmem:$0x1FCA0] =	vst v4  }
0xdc: {  	v5 =	vld [tilespmem:s30+$0xFFFFFF00];
	_ =	sdelay $0x1  }
0xdd: {  	v8 =	vld [tilespmem:s30+$0xFFFFFF80];
	_ =	sdelay $0x1  }
0xde: {  	v6 =	vimm.f32 $-Inf;
	v4 =	vld [tilespmem:s30+$0x0]  }
0xdf: {  	vm14 =	vgt.f32 v5, v6  }
0xe0: {  	s31 =	simm.s32 $0x0;
	v7 =	vimm.s32 $0x0;
	v9 =	vsel vm14, v5, v6;
	v5 =	vld [tilespmem:s30+$0x80]  }
0xe1: {  	s23 =	simm.s32 $0x1;
	s21 =	simm.s32 $0x3B0;
	v7 =	vsel vm14, s31, v7;
	vm15 =	vgt.f32 v8, v9  }
0xe2: {  	s22 =	simm.s32 $0xB;
	s20 =	simm.s32 $0x3;
	s19 =	simm.s32 $0x7;
	v6 =	vld [tilespmem:s21+$0xFFFFFF00];
	v7 =	vsel vm15, s23, v7;
	v8 =	vsel vm15, v8, v9  }
.LBB2_11:
0xe3: {  	p1 =	sne.s32 s22, $0x3E7;
	s23 =	sadd.s32 $0xFFFFFFFF, s20;
	vm0 =	vgt.f32 v4, v8  }
0xe4: {  	v9 =	vld [tilespmem:s21+$0xFFFFFF80];
	v7 =	vsel vm0, s23, v7;
	v8 =	vsel vm0, v4, v8  }
0xe5: {  	vm0 =	vgt.f32 v5, v8  }
.Ltmp7:
0xe6: {  	v4 =	vld [tilespmem:s21+$0x0];
	v7 =	vsel vm0, s20, v7;
	v5 =	vsel vm0, v5, v8;
	s20 =	smov.u32 s19;
	s19 =	smov.u32 s22;
	(pc) =	sbr.rel @p1 .LBB2_11-.Ltmp7, $4  }
0xe7: {  	s23 =	sadd.s32 $0xFFFFFFFD, s20;
	vm0 =	vgt.f32 v6, v5  }
0xe8: {  	v7 =	vsel vm0, s23, v7;
	v8 =	vsel vm0, v6, v5;
	v5 =	vld [tilespmem:s21+$0x80]  }
0xe9: {  	s23 =	sadd.s32 $0xFFFFFFFE, s20;
	s21 =	sadd.s32 $0x200, s21;
	vm0 =	vgt.f32 v9, v8  }
0xea: {  	s22 =	sadd.s32 $0x4, s22;
	v6 =	vld [tilespmem:s21+$0xFFFFFF00];
	v7 =	vsel vm0, s23, v7;
	v8 =	vsel vm0, v9, v8  }
0xeb: {  	vm0 =	vgt.f32 v4, v8  }
0xec: {  	v9 =	vld [tilespmem:s21+$0xFFFFFF80];
	v4 =	vsel vm0, v4, v8  }
0xed: {  	vm1 =	vgt.f32 v5, v4  }
0xee: {  	v8 =	vld [tilespmem:s21+$0x0];
	v4 =	vsel vm1, v5, v4  }
0xef: {  	vm2 =	vgt.f32 v6, v4  }
0xf0: {  	s22 =	sadd.s32 $0xFFFFFFFF, s20;
	v5 =	vld [tilespmem:s21+$0x80];
	v4 =	vsel vm2, v6, v4  }
0xf1: {  	v6 =	vsel vm0, s22, v7;
	vm11 =	vgt.f32 v9, v4  }
0xf2: {  	s26 =	sadd.s32 $0xFFFFFFFD, s19;
	v6 =	vsel vm1, s20, v6;
	v4 =	vsel vm11, v9, v4  }
0xf3: {  	s28 =	sadd.s32 $0xFFFFFFFE, s19;
	v6 =	vsel vm2, s26, v6;
	vm12 =	vgt.f32 v8, v4  }
0xf4: {  	s29 =	sadd.s32 $0xFFFFFFFF, s19;
	v6 =	vsel vm11, s28, v6;
	v4 =	vsel vm12, v8, v4  }
0xf5: {  	v6 =	vsel vm12, s29, v6;
	vm13 =	vgt.f32 v5, v4  }
0xf6: {  	v4 =	vsel vm13, s19, v6  }
0xf7: {  	s30 =	simm.s32 $0x1C0;
	[tilespmem:$0x1FCB0] =	vst v4  }
0xf8: {  	v5 =	vld [tilespmem:s30+$0xFFFFFF00];
	_ =	sdelay $0x1  }
0xf9: {  	v8 =	vld [tilespmem:s30+$0xFFFFFF80];
	_ =	sdelay $0x1  }
0xfa: {  	v6 =	vimm.f32 $-Inf;
	v4 =	vld [tilespmem:s30+$0x0]  }
0xfb: {  	vm14 =	vgt.f32 v5, v6  }
0xfc: {  	s31 =	simm.s32 $0x0;
	v7 =	vimm.s32 $0x0;
	v9 =	vsel vm14, v5, v6;
	v5 =	vld [tilespmem:s30+$0x80]  }
0xfd: {  	s23 =	simm.s32 $0x1;
	s21 =	simm.s32 $0x3C0;
	v7 =	vsel vm14, s31, v7;
	vm15 =	vgt.f32 v8, v9  }
0xfe: {  	s22 =	simm.s32 $0xB;
	s20 =	simm.s32 $0x3;
	s19 =	simm.s32 $0x7;
	v6 =	vld [tilespmem:s21+$0xFFFFFF00];
	v7 =	vsel vm15, s23, v7;
	v8 =	vsel vm15, v8, v9  }
.LBB2_13:
0xff: {  	p1 =	sne.s32 s22, $0x3E7;
	s23 =	sadd.s32 $0xFFFFFFFF, s20;
	vm0 =	vgt.f32 v4, v8  }
0x100: {  	v9 =	vld [tilespmem:s21+$0xFFFFFF80];
	v7 =	vsel vm0, s23, v7;
	v8 =	vsel vm0, v4, v8  }
0x101: {  	vm0 =	vgt.f32 v5, v8  }
.Ltmp8:
0x102: {  	v4 =	vld [tilespmem:s21+$0x0];
	v7 =	vsel vm0, s20, v7;
	v5 =	vsel vm0, v5, v8;
	s20 =	smov.u32 s19;
	s19 =	smov.u32 s22;
	(pc) =	sbr.rel @p1 .LBB2_13-.Ltmp8, $4  }
0x103: {  	s23 =	sadd.s32 $0xFFFFFFFD, s20;
	vm0 =	vgt.f32 v6, v5  }
0x104: {  	v7 =	vsel vm0, s23, v7;
	v8 =	vsel vm0, v6, v5;
	v5 =	vld [tilespmem:s21+$0x80]  }
0x105: {  	s23 =	sadd.s32 $0xFFFFFFFE, s20;
	s21 =	sadd.s32 $0x200, s21;
	vm0 =	vgt.f32 v9, v8  }
0x106: {  	s22 =	sadd.s32 $0x4, s22;
	v6 =	vld [tilespmem:s21+$0xFFFFFF00];
	v7 =	vsel vm0, s23, v7;
	v8 =	vsel vm0, v9, v8  }
0x107: {  	vm0 =	vgt.f32 v4, v8  }
0x108: {  	v9 =	vld [tilespmem:s21+$0xFFFFFF80];
	v4 =	vsel vm0, v4, v8  }
0x109: {  	vm1 =	vgt.f32 v5, v4  }
0x10a: {  	v8 =	vld [tilespmem:s21+$0x0];
	v4 =	vsel vm1, v5, v4  }
0x10b: {  	vm2 =	vgt.f32 v6, v4  }
0x10c: {  	s22 =	sadd.s32 $0xFFFFFFFF, s20;
	v5 =	vld [tilespmem:s21+$0x80];
	v4 =	vsel vm2, v6, v4  }
0x10d: {  	v6 =	vsel vm0, s22, v7;
	vm11 =	vgt.f32 v9, v4  }
0x10e: {  	s26 =	sadd.s32 $0xFFFFFFFD, s19;
	v6 =	vsel vm1, s20, v6;
	v4 =	vsel vm11, v9, v4  }
0x10f: {  	s28 =	sadd.s32 $0xFFFFFFFE, s19;
	v6 =	vsel vm2, s26, v6;
	vm12 =	vgt.f32 v8, v4  }
0x110: {  	s29 =	sadd.s32 $0xFFFFFFFF, s19;
	v6 =	vsel vm11, s28, v6;
	v4 =	vsel vm12, v8, v4  }
0x111: {  	v6 =	vsel vm12, s29, v6;
	vm13 =	vgt.f32 v5, v4  }
0x112: {  	v4 =	vsel vm13, s19, v6  }
0x113: {  	s30 =	simm.s32 $0x1D0;
	[tilespmem:$0x1FCC0] =	vst v4  }
0x114: {  	v5 =	vld [tilespmem:s30+$0xFFFFFF00];
	_ =	sdelay $0x1  }
0x115: {  	v8 =	vld [tilespmem:s30+$0xFFFFFF80];
	_ =	sdelay $0x1  }
0x116: {  	v6 =	vimm.f32 $-Inf;
	v4 =	vld [tilespmem:s30+$0x0]  }
0x117: {  	vm14 =	vgt.f32 v5, v6  }
0x118: {  	s31 =	simm.s32 $0x0;
	v7 =	vimm.s32 $0x0;
	v9 =	vsel vm14, v5, v6;
	v5 =	vld [tilespmem:s30+$0x80]  }
0x119: {  	s23 =	simm.s32 $0x1;
	s21 =	simm.s32 $0x3D0;
	v7 =	vsel vm14, s31, v7;
	vm15 =	vgt.f32 v8, v9  }
0x11a: {  	s22 =	simm.s32 $0xB;
	s20 =	simm.s32 $0x3;
	s19 =	simm.s32 $0x7;
	v6 =	vld [tilespmem:s21+$0xFFFFFF00];
	v7 =	vsel vm15, s23, v7;
	v8 =	vsel vm15, v8, v9  }
.LBB2_15:
0x11b: {  	p1 =	sne.s32 s22, $0x3E7;
	s23 =	sadd.s32 $0xFFFFFFFF, s20;
	vm0 =	vgt.f32 v4, v8  }
0x11c: {  	v9 =	vld [tilespmem:s21+$0xFFFFFF80];
	v7 =	vsel vm0, s23, v7;
	v8 =	vsel vm0, v4, v8  }
0x11d: {  	vm0 =	vgt.f32 v5, v8  }
.Ltmp9:
0x11e: {  	v4 =	vld [tilespmem:s21+$0x0];
	v7 =	vsel vm0, s20, v7;
	v5 =	vsel vm0, v5, v8;
	s20 =	smov.u32 s19;
	s19 =	smov.u32 s22;
	(pc) =	sbr.rel @p1 .LBB2_15-.Ltmp9, $4  }
0x11f: {  	s23 =	sadd.s32 $0xFFFFFFFD, s20;
	vm0 =	vgt.f32 v6, v5  }
0x120: {  	v7 =	vsel vm0, s23, v7;
	v8 =	vsel vm0, v6, v5;
	v5 =	vld [tilespmem:s21+$0x80]  }
0x121: {  	s23 =	sadd.s32 $0xFFFFFFFE, s20;
	s21 =	sadd.s32 $0x200, s21;
	vm0 =	vgt.f32 v9, v8  }
0x122: {  	s22 =	sadd.s32 $0x4, s22;
	v6 =	vld [tilespmem:s21+$0xFFFFFF00];
	v7 =	vsel vm0, s23, v7;
	v8 =	vsel vm0, v9, v8  }
0x123: {  	vm0 =	vgt.f32 v4, v8  }
0x124: {  	v9 =	vld [tilespmem:s21+$0xFFFFFF80];
	v4 =	vsel vm0, v4, v8  }
0x125: {  	vm1 =	vgt.f32 v5, v4  }
0x126: {  	v8 =	vld [tilespmem:s21+$0x0];
	v4 =	vsel vm1, v5, v4  }
0x127: {  	vm2 =	vgt.f32 v6, v4  }
0x128: {  	s22 =	sadd.s32 $0xFFFFFFFF, s20;
	v5 =	vld [tilespmem:s21+$0x80];
	v4 =	vsel vm2, v6, v4  }
0x129: {  	v6 =	vsel vm0, s22, v7;
	vm11 =	vgt.f32 v9, v4  }
0x12a: {  	s26 =	sadd.s32 $0xFFFFFFFD, s19;
	v6 =	vsel vm1, s20, v6;
	v4 =	vsel vm11, v9, v4  }
0x12b: {  	s28 =	sadd.s32 $0xFFFFFFFE, s19;
	v6 =	vsel vm2, s26, v6;
	vm12 =	vgt.f32 v8, v4  }
0x12c: {  	s29 =	sadd.s32 $0xFFFFFFFF, s19;
	v6 =	vsel vm11, s28, v6;
	v4 =	vsel vm12, v8, v4  }
0x12d: {  	v6 =	vsel vm12, s29, v6;
	vm13 =	vgt.f32 v5, v4  }
0x12e: {  	v4 =	vsel vm13, s19, v6  }
0x12f: {  	s30 =	simm.s32 $0x1E0;
	[tilespmem:$0x1FCD0] =	vst v4  }
0x130: {  	v5 =	vld [tilespmem:s30+$0xFFFFFF00];
	_ =	sdelay $0x1  }
0x131: {  	v8 =	vld [tilespmem:s30+$0xFFFFFF80];
	_ =	sdelay $0x1  }
0x132: {  	v6 =	vimm.f32 $-Inf;
	v4 =	vld [tilespmem:s30+$0x0]  }
0x133: {  	vm14 =	vgt.f32 v5, v6  }
0x134: {  	s31 =	simm.s32 $0x0;
	v7 =	vimm.s32 $0x0;
	v9 =	vsel vm14, v5, v6;
	v5 =	vld [tilespmem:s30+$0x80]  }
0x135: {  	s23 =	simm.s32 $0x1;
	s21 =	simm.s32 $0x3E0;
	v7 =	vsel vm14, s31, v7;
	vm15 =	vgt.f32 v8, v9  }
0x136: {  	s22 =	simm.s32 $0xB;
	s20 =	simm.s32 $0x3;
	s19 =	simm.s32 $0x7;
	v6 =	vld [tilespmem:s21+$0xFFFFFF00];
	v7 =	vsel vm15, s23, v7;
	v8 =	vsel vm15, v8, v9  }
.LBB2_17:
0x137: {  	p1 =	sne.s32 s22, $0x3E7;
	s23 =	sadd.s32 $0xFFFFFFFF, s20;
	vm0 =	vgt.f32 v4, v8  }
0x138: {  	v9 =	vld [tilespmem:s21+$0xFFFFFF80];
	v7 =	vsel vm0, s23, v7;
	v8 =	vsel vm0, v4, v8  }
0x139: {  	vm0 =	vgt.f32 v5, v8  }
.Ltmp10:
0x13a: {  	v4 =	vld [tilespmem:s21+$0x0];
	v7 =	vsel vm0, s20, v7;
	v5 =	vsel vm0, v5, v8;
	s20 =	smov.u32 s19;
	s19 =	smov.u32 s22;
	(pc) =	sbr.rel @p1 .LBB2_17-.Ltmp10, $4  }
0x13b: {  	s23 =	sadd.s32 $0xFFFFFFFD, s20;
	vm0 =	vgt.f32 v6, v5  }
0x13c: {  	v7 =	vsel vm0, s23, v7;
	v8 =	vsel vm0, v6, v5;
	v5 =	vld [tilespmem:s21+$0x80]  }
0x13d: {  	s23 =	sadd.s32 $0xFFFFFFFE, s20;
	s21 =	sadd.s32 $0x200, s21;
	vm0 =	vgt.f32 v9, v8  }
0x13e: {  	s22 =	sadd.s32 $0x4, s22;
	v6 =	vld [tilespmem:s21+$0xFFFFFF00];
	v7 =	vsel vm0, s23, v7;
	v8 =	vsel vm0, v9, v8  }
.Ltmp11:
0x13f: {  	_ = 	snop;
	(pc) =	sbr.rel .LBB2_18-.Ltmp11, $1  }
0x140: {  	_ =	sdelay $0x3  }
.LBB2_20:
0x141: {  	_ =	sfence.sel $0x180000  }
0x142: {  	[bflag:$0x0] =	sbarrier.arrive $0xFFFF  }
0x143: {  	p0 =	sne.s32 s0, $0x0;
	_ =	strace $0x90000047  }
0x144: {  	s0 =	sadd.s32 @!p0 $0x100000, s1;
	[bflag:$0x2] =	sbarrier.arrive $0xFFFF  }
0x145: {  	[sflag:s0] =	ssyncadd.tile.s32 @!p0 $0x1;
	_ =	shalt  }
.Lfunc_end2:
_tile_overlayer_lowered:
.L_overlay_start_2:
0x146: {  	(tag) =	ssettag $0x2  }
0x147: {  	s0 =	rddreg [dreg:$0x0];
	s2 =	stileid.u32  }
0x148: {  	s1 =	rddreg [dreg:$0x1];
	p0 =	sne.s32 s2, $0x0  }
0x149: {  	s3 =	rddreg [dreg:$0x2];
	[bflag:$0x3] =	sbarrier.arrive $0xFFFF;
	s2 =	simm.s32 @!p0 $0x1C02  }
0x14a: {  	[timem:s3], [sflag:s2] =	dma.local @!p0 [hbm:s0], s1  }
0x14b: {  	s0 =	simm.s32 @!p0 $0x2  }
0x14c: {  	_ =	swait.ge @!p0 [sflag:s0], s1  }
0x14d: {  	s1 =	ssub.s32 @!p0 $0x0, s1;
	[sflag:s0] =	ssyncset.done @!p0 $0x0  }
0x14e: {  	[sflag:s0] =	ssyncadd.s32 @!p0 s1  }
0x14f: {  	[bflag:$0x3] =	sbarrier.arrive $0xFFFF  }
0x150: {  	_ =	shalt  }

</sc_bundles>
